<compile_context>
chip_gen: v7x
topology: tpu7x:2x2x1
jax: 0.10.2.dev20260603
libtpu: 0.0.44.dev20260713+nightly
codegen_flags: <defaults>
</compile_context>

<pallas_src>
import functools

import jax
import jax.numpy as jnp
from jax import lax
from jax.experimental import pallas as pl
from jax.experimental.pallas import tpu as pltpu
from jax.experimental.pallas import tpu_sc as plsc

_NC = 2
_NS = 16
_NW = _NC * _NS
_B = 64


def _pad_rows(n):
    return (n + 127) // 128 * 128



@functools.cache
def _make_deg_kernel(n_acc, n_chunks, ch):
    mesh = plsc.VectorSubcoreMesh(core_axis_name="c", subcore_axis_name="s",
                                  num_cores=_NC, num_subcores=_NS)
    chunks_per_tile = n_chunks // _NW
    rows_per_tile = n_acc // _NS

    @functools.partial(
        pl.kernel,
        mesh=mesh,
        out_type=jax.ShapeDtypeStruct((_NC * n_acc,), jnp.float32),
        scratch_types=[
            pltpu.VMEM((chunks_per_tile, ch), jnp.int32),
            pltpu.VMEM((ch,), jnp.float32),
            pltpu.VMEM((n_acc // _NS,), jnp.float32),
            pltpu.VMEM_SHARED((n_acc,), jnp.float32),
            pltpu.SemaphoreType.DMA,
        ],
        compiler_params=pltpu.CompilerParams(use_tc_tiling_on_sc=False),
    )
    def deg_kernel(zeros_hbm, dst_hbm, out_hbm, dst_all, ones_v, tmp_v,
                   acc_sh, sem):
        cid = lax.axis_index("c")
        sid = lax.axis_index("s")
        base_row = sid * rows_per_tile
        wid = sid * _NC + cid
        chunk0 = wid * chunks_per_tile
        pltpu.sync_copy(dst_hbm.at[pl.ds(chunk0, chunks_per_tile)], dst_all)
        pltpu.sync_copy(zeros_hbm.at[pl.ds(base_row, rows_per_tile)], tmp_v)
        pltpu.sync_copy(tmp_v, acc_sh.at[pl.ds(base_row, rows_per_tile)])
        for i in range(ch // 16):
            ones_v[pl.ds(i * 16, 16)] = jnp.ones((16,), jnp.float32)
        plsc.subcore_barrier()

        def fire(j, carry):
            pltpu.async_copy(ones_v, acc_sh.at[dst_all.at[j]], sem, add=True)
            return carry

        lax.fori_loop(0, chunks_per_tile, fire, 0)

        def drain(j, carry):
            pltpu.make_async_copy(ones_v, acc_sh.at[dst_all.at[0]], sem).wait()
            return carry

        lax.fori_loop(0, chunks_per_tile, drain, 0)
        plsc.subcore_barrier()
        pltpu.sync_copy(acc_sh.at[pl.ds(base_row, rows_per_tile)], tmp_v)
        pltpu.sync_copy(tmp_v,
                        out_hbm.at[pl.ds(cid * n_acc + base_row, rows_per_tile)])

    return deg_kernel


@functools.cache
def _make_edge_kernel(n_acc, d_feat, n_chunks, ch):
    mesh = plsc.VectorSubcoreMesh(core_axis_name="c", subcore_axis_name="s",
                                  num_cores=_NC, num_subcores=_NS)
    chunks_per_tile = n_chunks // _NW
    rows_per_tile = n_acc // _NS

    @functools.partial(
        pl.kernel,
        mesh=mesh,
        out_type=jax.ShapeDtypeStruct((_NC, n_acc, d_feat), jnp.float32),
        scratch_types=[
            pltpu.VMEM((chunks_per_tile, ch), jnp.int32),
            pltpu.VMEM((chunks_per_tile, ch), jnp.int32),
            pltpu.VMEM((ch, d_feat), jnp.float32),
            pltpu.VMEM((ch, d_feat), jnp.float32),
            pltpu.VMEM_SHARED((n_acc, d_feat), jnp.float32),
            pltpu.VMEM_SHARED((n_acc, d_feat), jnp.float32),
            pltpu.SemaphoreType.DMA,
            pltpu.SemaphoreType.DMA,
            pltpu.SemaphoreType.DMA,
            pltpu.SemaphoreType.DMA,
        ],
        compiler_params=pltpu.CompilerParams(use_tc_tiling_on_sc=False),
    )
    def edge_kernel(g_hbm, src_hbm, dst_hbm, out_hbm,
                    src_all, dst_all, rows0, rows1,
                    acc_sh, g_sh,
                    gsem0, gsem1, ssem0, ssem1):
        cid = lax.axis_index("c")
        sid = lax.axis_index("s")
        base_row = sid * rows_per_tile
        wid = sid * _NC + cid
        chunk0 = wid * chunks_per_tile
        rows = (rows0, rows1)
        gsem = (gsem0, gsem1)
        ssem = (ssem0, ssem1)
        pltpu.sync_copy(src_hbm.at[pl.ds(chunk0, chunks_per_tile)], src_all)
        pltpu.sync_copy(dst_hbm.at[pl.ds(chunk0, chunks_per_tile)], dst_all)
        row_sl = pl.ds(base_row, rows_per_tile)

        @pl.when(cid == 0)
        def _():
            pltpu.sync_copy(g_hbm.at[row_sl], acc_sh.at[row_sl])

        @pl.when(cid == 1)
        def _():
            zv = jnp.zeros((16,), jnp.float32)

            def zbody(r, c):
                for k in range(d_feat // 16):
                    rows0[r, pl.ds(k * 16, 16)] = zv
                return c

            lax.fori_loop(0, ch, zbody, 0)
            nfull = rows_per_tile // ch
            for q in range(nfull):
                pltpu.sync_copy(rows0,
                                acc_sh.at[pl.ds(base_row + q * ch, ch)])
            rem = rows_per_tile - nfull * ch
            if rem:
                pltpu.sync_copy(rows0.at[pl.ds(0, rem)],
                                acc_sh.at[pl.ds(base_row + nfull * ch, rem)])

        pltpu.sync_copy(g_hbm.at[row_sl], g_sh.at[row_sl])
        plsc.subcore_barrier()

        def gstart(j, b):
            pltpu.async_copy(g_sh.at[src_all.at[j]], rows[b], gsem[b])

        def gwait(j, b):
            pltpu.make_async_copy(g_sh.at[src_all.at[j]], rows[b],
                                  gsem[b]).wait()

        def sstart(j, b):
            pltpu.async_copy(rows[b], acc_sh.at[dst_all.at[j]], ssem[b],
                             add=True)

        def swait(j, b):
            pltpu.make_async_copy(rows[b], acc_sh.at[dst_all.at[j]],
                                  ssem[b]).wait()

        nb = 2
        for b in range(nb):
            gstart(b, b)

        def body(k, carry):
            j = nb * k
            for b in range(nb):
                gwait(j + b, b)
                sstart(j + b, b)
            for b in range(nb):
                swait(j + b, b)
                gstart(j + b + nb, b)
            return carry

        lax.fori_loop(0, chunks_per_tile // nb - 1, body, 0)
        jl = chunks_per_tile - nb
        for b in range(nb):
            gwait(jl + b, b)
            sstart(jl + b, b)
        for b in range(nb):
            swait(jl + b, b)
        plsc.subcore_barrier()
        pltpu.sync_copy(acc_sh.at[pl.ds(base_row, rows_per_tile)],
                        out_hbm.at[cid, pl.ds(base_row, rows_per_tile)])

    return edge_kernel



def _k0_body(x_ref, w1_ref, h_ref):
    h_ref[:] = jnp.dot(x_ref[:], w1_ref[:], preferred_element_type=jnp.float32)


def _k1_body(degp_ref, h_ref, g1_ref, d_ref):
    deg = degp_ref[0] + degp_ref[1] + 1.0
    d = lax.rsqrt(deg)
    g1_ref[:] = h_ref[:] * d
    d_ref[:] = d


def _k2_body(p_ref, d_ref, b1_ref, w2_ref, g2_ref):
    tot = p_ref[0] + p_ref[1]
    a1 = jnp.maximum(d_ref[:] * tot + b1_ref[:], 0.0)
    h2 = jnp.dot(a1, w2_ref[:], preferred_element_type=jnp.float32)
    g2_ref[:] = h2 * d_ref[:]


def _k3_body(n_acc, p_ref, d_ref, b2_ref, batch_ref, wout_ref,
             bout_ref, out_ref):
    tot = p_ref[0] + p_ref[1]
    a2 = jnp.maximum(d_ref[:] * tot + b2_ref[:], 0.0)
    ids = lax.broadcasted_iota(jnp.int32, (_B, n_acc), 0)
    oneh = (ids == batch_ref[:]).astype(jnp.float32)
    sums = jnp.dot(oneh, a2, preferred_element_type=jnp.float32)
    counts = jnp.sum(oneh, axis=1, keepdims=True)
    pooled = sums / jnp.maximum(counts, 1.0)
    out_ref[:] = (jnp.dot(pooled, wout_ref[:],
                          preferred_element_type=jnp.float32) + bout_ref[:])



def kernel(x, edge_index, batch, W1, b1, W2, b2, Wout, bout):
    n, f_in = x.shape
    e = edge_index.shape[1]
    n_acc = _pad_rows(n)
    ch_deg, ch1, ch2 = 512, 128, 256
    grp = max(_NW * ch_deg, 2 * _NW * ch1, 2 * _NW * ch2)
    e_pad = (e + grp - 1) // grp * grp

    f32 = jnp.float32
    x_pad = jnp.zeros((n_acc, f_in), f32).at[:n].set(x)
    pad_idx = jnp.full((e_pad - e,), n, jnp.int32)
    src_flat = jnp.concatenate([edge_index[0], pad_idx])
    dst_flat = jnp.concatenate([edge_index[1], pad_idx])
    batch_pad = jnp.full((1, n_acc), _B, jnp.int32).at[0, :n].set(batch)
    zeros_deg = jnp.zeros((n_acc,), f32)

    d_out = W1.shape[1]
    h1 = pl.pallas_call(
        _k0_body,
        out_shape=jax.ShapeDtypeStruct((n_acc, d_out), f32),
    )(x_pad, W1)

    deg_p = _make_deg_kernel(n_acc, e_pad // ch_deg, ch_deg)(
        zeros_deg, dst_flat.reshape(e_pad // ch_deg, ch_deg))
    deg_p = deg_p.reshape(_NC, n_acc, 1)

    g1, d = pl.pallas_call(
        _k1_body,
        out_shape=[jax.ShapeDtypeStruct((n_acc, d_out), f32),
                   jax.ShapeDtypeStruct((n_acc, 1), f32)],
    )(deg_p, h1)

    p1 = _make_edge_kernel(n_acc, d_out, e_pad // ch1, ch1)(
        g1, src_flat.reshape(e_pad // ch1, ch1),
        dst_flat.reshape(e_pad // ch1, ch1))

    d2_out = W2.shape[1]
    g2 = pl.pallas_call(
        _k2_body,
        out_shape=jax.ShapeDtypeStruct((n_acc, d2_out), f32),
    )(p1, d, b1.reshape(1, -1), W2)

    p2 = _make_edge_kernel(n_acc, d2_out, e_pad // ch2, ch2)(
        g2, src_flat.reshape(e_pad // ch2, ch2),
        dst_flat.reshape(e_pad // ch2, ch2))

    out = pl.pallas_call(
        functools.partial(_k3_body, n_acc),
        out_shape=jax.ShapeDtypeStruct((_B, Wout.shape[1]), f32),
    )(p2, d, b2.reshape(1, -1), batch_pad, Wout, bout.reshape(1, -1))
    return out

# --- scband reference (transcript-rebuilt; emitter-appended) ---
"""Pipeline reference for scband-gcn-515396075540 (READ-ONLY COPY).

The authoritative reference and input builder live on the scoring server;
editing this copy changes nothing except your own understanding.
"""

import jax, jax.numpy as jnp
import numpy as np

N = 10000
E = 320000
B = 64


def setup_inputs(seed: int = 0) -> dict:
    key = jax.random.key(seed)
    ks = jax.random.split(key, 10)
    x = jax.random.normal(ks[0], (N, 128), dtype=jnp.float32)
    edge_index = jax.random.randint(ks[1], (2, E), 0, N, dtype=jnp.int32)
    batch = jnp.sort(jax.random.randint(ks[2], (N,), 0, B, dtype=jnp.int32))
    W1 = jax.random.normal(ks[3], (128, 64), dtype=jnp.float32) * 0.05
    b1 = jnp.zeros((64,), dtype=jnp.float32)
    W2 = jax.random.normal(ks[4], (64, 16), dtype=jnp.float32) * 0.05
    b2 = jnp.zeros((16,), dtype=jnp.float32)
    Wout = jax.random.normal(ks[5], (16, 1), dtype=jnp.float32) * 0.05
    bout = jnp.zeros((1,), dtype=jnp.float32)
    return {"x": x, "edge_index": edge_index, "batch": batch,
            "W1": W1, "b1": b1, "W2": W2, "b2": b2,
            "Wout": Wout, "bout": bout}


def _gcn_conv(x, edge_index, W, b):
    # PyG GCNConv: add self-loops, symmetric normalization, linear transform, scatter-add
    n = x.shape[0]
    loop = jnp.arange(n, dtype=edge_index.dtype)
    src = jnp.concatenate([edge_index[0], loop])
    dst = jnp.concatenate([edge_index[1], loop])
    deg = jnp.zeros((n,), dtype=x.dtype).at[dst].add(1.0)
    deg_inv_sqrt = jnp.where(deg > 0, deg ** -0.5, 0.0)
    norm = deg_inv_sqrt[src] * deg_inv_sqrt[dst]
    h = x @ W
    msg = h[src] * norm[:, None]
    out = jnp.zeros((n, W.shape[1]), dtype=x.dtype).at[dst].add(msg)
    return out + b


def reference(x, edge_index, batch, W1, b1, W2, b2, Wout, bout):
    h = _gcn_conv(x, edge_index, W1, b1)
    h = jax.nn.relu(h)
    h = _gcn_conv(h, edge_index, W2, b2)
    h = jax.nn.relu(h)
    sums = jax.ops.segment_sum(h, batch, num_segments=B)
    counts = jax.ops.segment_sum(jnp.ones((h.shape[0], 1), dtype=h.dtype), batch, num_segments=B)
    pooled = sums / jnp.maximum(counts, 1.0)
    out = pooled @ Wout + bout
    return out

if __name__ == "__main__":
    import jax
    _d = setup_inputs()
    print(jax.jit(kernel)(*tuple(_d.values())))

</pallas_src>

<mosaic_0001>
#map = affine_map<(d0, d1) -> (0, 0)>
#map1 = affine_map<(d0, d1) -> (0, 0, 0)>
module attributes {stable_mosaic.version = 14 : i64} {
  func.func @edge_kernel(%arg0: i32, %arg1: i32, %arg2: memref<10112x64xf32, #tpu.memory_space<hbm>>, %arg3: memref<2560x128xi32, #tpu.memory_space<hbm>>, %arg4: memref<2560x128xi32, #tpu.memory_space<hbm>>, %arg5: memref<2x10112x64xf32, #tpu.memory_space<hbm>>, %arg6: memref<80x128xi32, #tpu.memory_space<vmem>>, %arg7: memref<80x128xi32, #tpu.memory_space<vmem>>, %arg8: memref<128x64xf32, #tpu.memory_space<vmem>>, %arg9: memref<128x64xf32, #tpu.memory_space<vmem>>, %arg10: memref<10112x64xf32, #tpu.memory_space<vmem_shared>>, %arg11: memref<10112x64xf32, #tpu.memory_space<vmem_shared>>, %arg12: memref<!tpu.dma_semaphore, #tpu.memory_space<semaphore_mem>>, %arg13: memref<!tpu.dma_semaphore, #tpu.memory_space<semaphore_mem>>, %arg14: memref<!tpu.dma_semaphore, #tpu.memory_space<semaphore_mem>>, %arg15: memref<!tpu.dma_semaphore, #tpu.memory_space<semaphore_mem>>) attributes {dimension_semantics = [#tpu.dimension_semantics<core_parallel>, #tpu.dimension_semantics<subcore_parallel>], iteration_bounds = array<i64: 2, 16>, scalar_prefetch = 0 : i64, scratch_operands = 10 : i64, tpu.core_type = #tpu.core_type<sc_vector_subcore>, window_params = [{transform_indices = #map}, {transform_indices = #map}, {transform_indices = #map}, {transform_indices = #map1}]} {
    %mul3A = arith.constant 632 : i32
    %mul3A_0 = arith.muli %arg1, %mul3A : i32
    %mul3A_1 = arith.constant 2 : i32
    %mul3A_2 = arith.muli %arg1, %mul3A_1 : i32
    %add3A = arith.addi %mul3A_2, %arg0 : i32
    %mul3A_3 = arith.constant 80 : i32
    %mul3A_4 = arith.muli %add3A, %mul3A_3 : i32
    "tpu.region"() ({
      %run_scoped3A = tpu.sem_alloc : memref<!tpu.dma_semaphore, #tpu.memory_space<semaphore_mem>>
      %dma_start3A_72 = arith.constant 0 : i32
      %dma_start3A_73 = tpu.memref_slice %arg3[%mul3A_4, %dma_start3A_72] : memref<2560x128xi32, #tpu.memory_space<hbm>> -> memref<80x128xi32, #tpu.memory_space<hbm>>
      %dma_start3A_74 = arith.constant 0 : i32
      %dma_start3A_75 = tpu.memref_slice %arg3[%mul3A_4, %dma_start3A_74] : memref<2560x128xi32, #tpu.memory_space<hbm>> -> memref<80x128xi32, #tpu.memory_space<hbm>>
      tpu.enqueue_dma source(%dma_start3A_75 : memref<80x128xi32, #tpu.memory_space<hbm>>) target(%arg6 : memref<80x128xi32, #tpu.memory_space<vmem>>) target_semaphore(%run_scoped3A : memref<!tpu.dma_semaphore, #tpu.memory_space<semaphore_mem>>)
      %dma_wait3A_76 = arith.constant 0 : i32
      %dma_wait3A_77 = tpu.memref_slice %arg3[%mul3A_4, %dma_wait3A_76] : memref<2560x128xi32, #tpu.memory_space<hbm>> -> memref<80x128xi32, #tpu.memory_space<hbm>>
      %dma_wait3A_78 = arith.constant 0 : i32
      %dma_wait3A_79 = tpu.memref_slice %arg3[%mul3A_4, %dma_wait3A_78] : memref<2560x128xi32, #tpu.memory_space<hbm>> -> memref<80x128xi32, #tpu.memory_space<hbm>>
      tpu.wait_dma2 semaphore(%run_scoped3A : memref<!tpu.dma_semaphore, #tpu.memory_space<semaphore_mem>>) src(%dma_wait3A_79 : memref<80x128xi32, #tpu.memory_space<hbm>>) dst(%arg6 : memref<80x128xi32, #tpu.memory_space<vmem>>)
      tpu.yield
    }) : () -> ()
    "tpu.region"() ({
      %run_scoped3A = tpu.sem_alloc : memref<!tpu.dma_semaphore, #tpu.memory_space<semaphore_mem>>
      %dma_start3A_72 = arith.constant 0 : i32
      %dma_start3A_73 = tpu.memref_slice %arg4[%mul3A_4, %dma_start3A_72] : memref<2560x128xi32, #tpu.memory_space<hbm>> -> memref<80x128xi32, #tpu.memory_space<hbm>>
      %dma_start3A_74 = arith.constant 0 : i32
      %dma_start3A_75 = tpu.memref_slice %arg4[%mul3A_4, %dma_start3A_74] : memref<2560x128xi32, #tpu.memory_space<hbm>> -> memref<80x128xi32, #tpu.memory_space<hbm>>
      tpu.enqueue_dma source(%dma_start3A_75 : memref<80x128xi32, #tpu.memory_space<hbm>>) target(%arg7 : memref<80x128xi32, #tpu.memory_space<vmem>>) target_semaphore(%run_scoped3A : memref<!tpu.dma_semaphore, #tpu.memory_space<semaphore_mem>>)
      %dma_wait3A_76 = arith.constant 0 : i32
      %dma_wait3A_77 = tpu.memref_slice %arg4[%mul3A_4, %dma_wait3A_76] : memref<2560x128xi32, #tpu.memory_space<hbm>> -> memref<80x128xi32, #tpu.memory_space<hbm>>
      %dma_wait3A_78 = arith.constant 0 : i32
      %dma_wait3A_79 = tpu.memref_slice %arg4[%mul3A_4, %dma_wait3A_78] : memref<2560x128xi32, #tpu.memory_space<hbm>> -> memref<80x128xi32, #tpu.memory_space<hbm>>
      tpu.wait_dma2 semaphore(%run_scoped3A : memref<!tpu.dma_semaphore, #tpu.memory_space<semaphore_mem>>) src(%dma_wait3A_79 : memref<80x128xi32, #tpu.memory_space<hbm>>) dst(%arg7 : memref<80x128xi32, #tpu.memory_space<vmem>>)
      tpu.yield
    }) : () -> ()
    %eq3A = arith.constant 0 : i32
    %eq3A_5 = arith.cmpi eq, %arg0, %eq3A : i32
    %convert_element_type3A = arith.extui %eq3A_5 : i1 to i32
    %cond3A = arith.constant 0 : i32
    %cond3A_6 = arith.cmpi ne, %convert_element_type3A, %cond3A : i32
    scf.if %cond3A_6 {
      "tpu.region"() ({
        %run_scoped3A = tpu.sem_alloc : memref<!tpu.dma_semaphore, #tpu.memory_space<semaphore_mem>>
        %dma_start3A_72 = arith.constant 0 : i32
        %dma_start3A_73 = tpu.memref_slice %arg10[%mul3A_0, %dma_start3A_72] : memref<10112x64xf32, #tpu.memory_space<vmem_shared>> -> memref<632x64xf32, #tpu.memory_space<vmem_shared>>
        %dma_start3A_74 = arith.constant 0 : i32
        %dma_start3A_75 = tpu.memref_slice %arg2[%mul3A_0, %dma_start3A_74] : memref<10112x64xf32, #tpu.memory_space<hbm>> -> memref<632x64xf32, #tpu.memory_space<hbm>>
        tpu.enqueue_dma source(%dma_start3A_75 : memref<632x64xf32, #tpu.memory_space<hbm>>) target(%dma_start3A_73 : memref<632x64xf32, #tpu.memory_space<vmem_shared>>) target_semaphore(%run_scoped3A : memref<!tpu.dma_semaphore, #tpu.memory_space<semaphore_mem>>)
        %dma_wait3A_76 = arith.constant 0 : i32
        %dma_wait3A_77 = tpu.memref_slice %arg10[%mul3A_0, %dma_wait3A_76] : memref<10112x64xf32, #tpu.memory_space<vmem_shared>> -> memref<632x64xf32, #tpu.memory_space<vmem_shared>>
        %dma_wait3A_78 = arith.constant 0 : i32
        %dma_wait3A_79 = tpu.memref_slice %arg2[%mul3A_0, %dma_wait3A_78] : memref<10112x64xf32, #tpu.memory_space<hbm>> -> memref<632x64xf32, #tpu.memory_space<hbm>>
        tpu.wait_dma2 semaphore(%run_scoped3A : memref<!tpu.dma_semaphore, #tpu.memory_space<semaphore_mem>>) src(%dma_wait3A_79 : memref<632x64xf32, #tpu.memory_space<hbm>>) dst(%dma_wait3A_77 : memref<632x64xf32, #tpu.memory_space<vmem_shared>>)
        tpu.yield
      }) : () -> ()
    } else {
    }
    %eq3A_7 = arith.constant 1 : i32
    %eq3A_8 = arith.cmpi eq, %arg0, %eq3A_7 : i32
    %convert_element_type3A_9 = arith.extui %eq3A_8 : i1 to i32
    %cond3A_10 = arith.constant 0 : i32
    %cond3A_11 = arith.cmpi ne, %convert_element_type3A_9, %cond3A_10 : i32
    scf.if %cond3A_11 {
      %broadcast_in_dim3A = arith.constant 0.000000e+00 : f32
      %broadcast_in_dim3A_72 = vector.broadcast %broadcast_in_dim3A : f32 to vector<16xf32>
      %scan3A_73 = arith.constant 0 : i32
      %scan3A_74 = arith.constant 0 : i32
      %scan3A_75 = arith.constant 128 : i32
      %scan3A_76 = arith.addi %scan3A_74, %scan3A_75 : i32
      %scan3A_77 = arith.constant 1 : i32
      scf.for %scan3A_89 = %scan3A_74 to %scan3A_76 step %scan3A_77  : i32 {
        %swap3A = arith.index_cast %scan3A_89 : i32 to index
        %swap3A_90 = arith.constant 0 : index
        %swap3A_91 = tpu.vector_load %arg8[%swap3A, %swap3A_90] {strides = array<i32>} : memref<128x64xf32, #tpu.memory_space<vmem>>, vector<1x16xf32>,
        %swap3A_92 = vector.shape_cast %swap3A_91 : vector<1x16xf32> to vector<16xf32>
        %swap3A_93 = vector.shape_cast %broadcast_in_dim3A_72 : vector<16xf32> to vector<1x16xf32>
        tpu.vector_store %arg8[%swap3A, %swap3A_90], %swap3A_93 {strides = array<i32>} : memref<128x64xf32, #tpu.memory_space<vmem>>, vector<1x16xf32>,
        %swap3A_94 = arith.index_cast %scan3A_89 : i32 to index
        %swap3A_95 = arith.constant 16 : index
        %swap3A_96 = tpu.vector_load %arg8[%swap3A_94, %swap3A_95] {strides = array<i32>} : memref<128x64xf32, #tpu.memory_space<vmem>>, vector<1x16xf32>,
        %swap3A_97 = vector.shape_cast %swap3A_96 : vector<1x16xf32> to vector<16xf32>
        %swap3A_98 = vector.shape_cast %broadcast_in_dim3A_72 : vector<16xf32> to vector<1x16xf32>
        tpu.vector_store %arg8[%swap3A_94, %swap3A_95], %swap3A_98 {strides = array<i32>} : memref<128x64xf32, #tpu.memory_space<vmem>>, vector<1x16xf32>,
        %swap3A_99 = arith.index_cast %scan3A_89 : i32 to index
        %swap3A_100 = arith.constant 32 : index
        %swap3A_101 = tpu.vector_load %arg8[%swap3A_99, %swap3A_100] {strides = array<i32>} : memref<128x64xf32, #tpu.memory_space<vmem>>, vector<1x16xf32>,
        %swap3A_102 = vector.shape_cast %swap3A_101 : vector<1x16xf32> to vector<16xf32>
        %swap3A_103 = vector.shape_cast %broadcast_in_dim3A_72 : vector<16xf32> to vector<1x16xf32>
        tpu.vector_store %arg8[%swap3A_99, %swap3A_100], %swap3A_103 {strides = array<i32>} : memref<128x64xf32, #tpu.memory_space<vmem>>, vector<1x16xf32>,
        %swap3A_104 = arith.index_cast %scan3A_89 : i32 to index
        %swap3A_105 = arith.constant 48 : index
        %swap3A_106 = tpu.vector_load %arg8[%swap3A_104, %swap3A_105] {strides = array<i32>} : memref<128x64xf32, #tpu.memory_space<vmem>>, vector<1x16xf32>,
        %swap3A_107 = vector.shape_cast %swap3A_106 : vector<1x16xf32> to vector<16xf32>
        %swap3A_108 = vector.shape_cast %broadcast_in_dim3A_72 : vector<16xf32> to vector<1x16xf32>
        tpu.vector_store %arg8[%swap3A_104, %swap3A_105], %swap3A_108 {strides = array<i32>} : memref<128x64xf32, #tpu.memory_space<vmem>>, vector<1x16xf32>,
      }
      %scan3A_78 = arith.constant 128 : i32
      %add3A_79 = arith.constant 0 : i32
      %add3A_80 = arith.addi %mul3A_0, %add3A_79 : i32
      "tpu.region"() ({
        %run_scoped3A = tpu.sem_alloc : memref<!tpu.dma_semaphore, #tpu.memory_space<semaphore_mem>>
        %dma_start3A_89 = arith.constant 0 : i32
        %dma_start3A_90 = tpu.memref_slice %arg10[%add3A_80, %dma_start3A_89] : memref<10112x64xf32, #tpu.memory_space<vmem_shared>> -> memref<128x64xf32, #tpu.memory_space<vmem_shared>>
        %dma_start3A_91 = arith.constant 0 : i32
        %dma_start3A_92 = tpu.memref_slice %arg10[%add3A_80, %dma_start3A_91] : memref<10112x64xf32, #tpu.memory_space<vmem_shared>> -> memref<128x64xf32, #tpu.memory_space<vmem_shared>>
        tpu.enqueue_dma source(%arg8 : memref<128x64xf32, #tpu.memory_space<vmem>>) target(%dma_start3A_92 : memref<128x64xf32, #tpu.memory_space<vmem_shared>>) target_semaphore(%run_scoped3A : memref<!tpu.dma_semaphore, #tpu.memory_space<semaphore_mem>>)
        %dma_wait3A_93 = arith.constant 0 : i32
        %dma_wait3A_94 = tpu.memref_slice %arg10[%add3A_80, %dma_wait3A_93] : memref<10112x64xf32, #tpu.memory_space<vmem_shared>> -> memref<128x64xf32, #tpu.memory_space<vmem_shared>>
        %dma_wait3A_95 = arith.constant 0 : i32
        %dma_wait3A_96 = tpu.memref_slice %arg10[%add3A_80, %dma_wait3A_95] : memref<10112x64xf32, #tpu.memory_space<vmem_shared>> -> memref<128x64xf32, #tpu.memory_space<vmem_shared>>
        tpu.wait_dma2 semaphore(%run_scoped3A : memref<!tpu.dma_semaphore, #tpu.memory_space<semaphore_mem>>) src(%arg8 : memref<128x64xf32, #tpu.memory_space<vmem>>) dst(%dma_wait3A_96 : memref<128x64xf32, #tpu.memory_space<vmem_shared>>)
        tpu.yield
      }) : () -> ()
      %add3A_81 = arith.constant 128 : i32
      %add3A_82 = arith.addi %mul3A_0, %add3A_81 : i32
      "tpu.region"() ({
        %run_scoped3A = tpu.sem_alloc : memref<!tpu.dma_semaphore, #tpu.memory_space<semaphore_mem>>
        %dma_start3A_89 = arith.constant 0 : i32
        %dma_start3A_90 = tpu.memref_slice %arg10[%add3A_82, %dma_start3A_89] : memref<10112x64xf32, #tpu.memory_space<vmem_shared>> -> memref<128x64xf32, #tpu.memory_space<vmem_shared>>
        %dma_start3A_91 = arith.constant 0 : i32
        %dma_start3A_92 = tpu.memref_slice %arg10[%add3A_82, %dma_start3A_91] : memref<10112x64xf32, #tpu.memory_space<vmem_shared>> -> memref<128x64xf32, #tpu.memory_space<vmem_shared>>
        tpu.enqueue_dma source(%arg8 : memref<128x64xf32, #tpu.memory_space<vmem>>) target(%dma_start3A_92 : memref<128x64xf32, #tpu.memory_space<vmem_shared>>) target_semaphore(%run_scoped3A : memref<!tpu.dma_semaphore, #tpu.memory_space<semaphore_mem>>)
        %dma_wait3A_93 = arith.constant 0 : i32
        %dma_wait3A_94 = tpu.memref_slice %arg10[%add3A_82, %dma_wait3A_93] : memref<10112x64xf32, #tpu.memory_space<vmem_shared>> -> memref<128x64xf32, #tpu.memory_space<vmem_shared>>
        %dma_wait3A_95 = arith.constant 0 : i32
        %dma_wait3A_96 = tpu.memref_slice %arg10[%add3A_82, %dma_wait3A_95] : memref<10112x64xf32, #tpu.memory_space<vmem_shared>> -> memref<128x64xf32, #tpu.memory_space<vmem_shared>>
        tpu.wait_dma2 semaphore(%run_scoped3A : memref<!tpu.dma_semaphore, #tpu.memory_space<semaphore_mem>>) src(%arg8 : memref<128x64xf32, #tpu.memory_space<vmem>>) dst(%dma_wait3A_96 : memref<128x64xf32, #tpu.memory_space<vmem_shared>>)
        tpu.yield
      }) : () -> ()
      %add3A_83 = arith.constant 256 : i32
      %add3A_84 = arith.addi %mul3A_0, %add3A_83 : i32
      "tpu.region"() ({
        %run_scoped3A = tpu.sem_alloc : memref<!tpu.dma_semaphore, #tpu.memory_space<semaphore_mem>>
        %dma_start3A_89 = arith.constant 0 : i32
        %dma_start3A_90 = tpu.memref_slice %arg10[%add3A_84, %dma_start3A_89] : memref<10112x64xf32, #tpu.memory_space<vmem_shared>> -> memref<128x64xf32, #tpu.memory_space<vmem_shared>>
        %dma_start3A_91 = arith.constant 0 : i32
        %dma_start3A_92 = tpu.memref_slice %arg10[%add3A_84, %dma_start3A_91] : memref<10112x64xf32, #tpu.memory_space<vmem_shared>> -> memref<128x64xf32, #tpu.memory_space<vmem_shared>>
        tpu.enqueue_dma source(%arg8 : memref<128x64xf32, #tpu.memory_space<vmem>>) target(%dma_start3A_92 : memref<128x64xf32, #tpu.memory_space<vmem_shared>>) target_semaphore(%run_scoped3A : memref<!tpu.dma_semaphore, #tpu.memory_space<semaphore_mem>>)
        %dma_wait3A_93 = arith.constant 0 : i32
        %dma_wait3A_94 = tpu.memref_slice %arg10[%add3A_84, %dma_wait3A_93] : memref<10112x64xf32, #tpu.memory_space<vmem_shared>> -> memref<128x64xf32, #tpu.memory_space<vmem_shared>>
        %dma_wait3A_95 = arith.constant 0 : i32
        %dma_wait3A_96 = tpu.memref_slice %arg10[%add3A_84, %dma_wait3A_95] : memref<10112x64xf32, #tpu.memory_space<vmem_shared>> -> memref<128x64xf32, #tpu.memory_space<vmem_shared>>
        tpu.wait_dma2 semaphore(%run_scoped3A : memref<!tpu.dma_semaphore, #tpu.memory_space<semaphore_mem>>) src(%arg8 : memref<128x64xf32, #tpu.memory_space<vmem>>) dst(%dma_wait3A_96 : memref<128x64xf32, #tpu.memory_space<vmem_shared>>)
        tpu.yield
      }) : () -> ()
      %add3A_85 = arith.constant 384 : i32
      %add3A_86 = arith.addi %mul3A_0, %add3A_85 : i32
      "tpu.region"() ({
        %run_scoped3A = tpu.sem_alloc : memref<!tpu.dma_semaphore, #tpu.memory_space<semaphore_mem>>
        %dma_start3A_89 = arith.constant 0 : i32
        %dma_start3A_90 = tpu.memref_slice %arg10[%add3A_86, %dma_start3A_89] : memref<10112x64xf32, #tpu.memory_space<vmem_shared>> -> memref<128x64xf32, #tpu.memory_space<vmem_shared>>
        %dma_start3A_91 = arith.constant 0 : i32
        %dma_start3A_92 = tpu.memref_slice %arg10[%add3A_86, %dma_start3A_91] : memref<10112x64xf32, #tpu.memory_space<vmem_shared>> -> memref<128x64xf32, #tpu.memory_space<vmem_shared>>
        tpu.enqueue_dma source(%arg8 : memref<128x64xf32, #tpu.memory_space<vmem>>) target(%dma_start3A_92 : memref<128x64xf32, #tpu.memory_space<vmem_shared>>) target_semaphore(%run_scoped3A : memref<!tpu.dma_semaphore, #tpu.memory_space<semaphore_mem>>)
        %dma_wait3A_93 = arith.constant 0 : i32
        %dma_wait3A_94 = tpu.memref_slice %arg10[%add3A_86, %dma_wait3A_93] : memref<10112x64xf32, #tpu.memory_space<vmem_shared>> -> memref<128x64xf32, #tpu.memory_space<vmem_shared>>
        %dma_wait3A_95 = arith.constant 0 : i32
        %dma_wait3A_96 = tpu.memref_slice %arg10[%add3A_86, %dma_wait3A_95] : memref<10112x64xf32, #tpu.memory_space<vmem_shared>> -> memref<128x64xf32, #tpu.memory_space<vmem_shared>>
        tpu.wait_dma2 semaphore(%run_scoped3A : memref<!tpu.dma_semaphore, #tpu.memory_space<semaphore_mem>>) src(%arg8 : memref<128x64xf32, #tpu.memory_space<vmem>>) dst(%dma_wait3A_96 : memref<128x64xf32, #tpu.memory_space<vmem_shared>>)
        tpu.yield
      }) : () -> ()
      %add3A_87 = arith.constant 512 : i32
      %add3A_88 = arith.addi %mul3A_0, %add3A_87 : i32
      "tpu.region"() ({
        %run_scoped3A = tpu.sem_alloc : memref<!tpu.dma_semaphore, #tpu.memory_space<semaphore_mem>>
        %dma_start3A_89 = arith.constant 0 : i32
        %dma_start3A_90 = arith.constant 0 : i32
        %dma_start3A_91 = tpu.memref_slice %arg8[%dma_start3A_89, %dma_start3A_90] : memref<128x64xf32, #tpu.memory_space<vmem>> -> memref<120x64xf32, #tpu.memory_space<vmem>>
        %dma_start3A_92 = arith.constant 0 : i32
        %dma_start3A_93 = tpu.memref_slice %arg10[%add3A_88, %dma_start3A_92] : memref<10112x64xf32, #tpu.memory_space<vmem_shared>> -> memref<120x64xf32, #tpu.memory_space<vmem_shared>>
        %dma_start3A_94 = arith.constant 0 : i32
        %dma_start3A_95 = tpu.memref_slice %arg10[%add3A_88, %dma_start3A_94] : memref<10112x64xf32, #tpu.memory_space<vmem_shared>> -> memref<120x64xf32, #tpu.memory_space<vmem_shared>>
        %dma_start3A_96 = arith.constant 0 : i32
        %dma_start3A_97 = arith.constant 0 : i32
        %dma_start3A_98 = tpu.memref_slice %arg8[%dma_start3A_96, %dma_start3A_97] : memref<128x64xf32, #tpu.memory_space<vmem>> -> memref<120x64xf32, #tpu.memory_space<vmem>>
        tpu.enqueue_dma source(%dma_start3A_98 : memref<120x64xf32, #tpu.memory_space<vmem>>) target(%dma_start3A_95 : memref<120x64xf32, #tpu.memory_space<vmem_shared>>) target_semaphore(%run_scoped3A : memref<!tpu.dma_semaphore, #tpu.memory_space<semaphore_mem>>)
        %dma_wait3A_99 = arith.constant 0 : i32
        %dma_wait3A_100 = arith.constant 0 : i32
        %dma_wait3A_101 = tpu.memref_slice %arg8[%dma_wait3A_99, %dma_wait3A_100] : memref<128x64xf32, #tpu.memory_space<vmem>> -> memref<120x64xf32, #tpu.memory_space<vmem>>
        %dma_wait3A_102 = arith.constant 0 : i32
        %dma_wait3A_103 = tpu.memref_slice %arg10[%add3A_88, %dma_wait3A_102] : memref<10112x64xf32, #tpu.memory_space<vmem_shared>> -> memref<120x64xf32, #tpu.memory_space<vmem_shared>>
        %dma_wait3A_104 = arith.constant 0 : i32
        %dma_wait3A_105 = tpu.memref_slice %arg10[%add3A_88, %dma_wait3A_104] : memref<10112x64xf32, #tpu.memory_space<vmem_shared>> -> memref<120x64xf32, #tpu.memory_space<vmem_shared>>
        %dma_wait3A_106 = arith.constant 0 : i32
        %dma_wait3A_107 = arith.constant 0 : i32
        %dma_wait3A_108 = tpu.memref_slice %arg8[%dma_wait3A_106, %dma_wait3A_107] : memref<128x64xf32, #tpu.memory_space<vmem>> -> memref<120x64xf32, #tpu.memory_space<vmem>>
        tpu.wait_dma2 semaphore(%run_scoped3A : memref<!tpu.dma_semaphore, #tpu.memory_space<semaphore_mem>>) src(%dma_wait3A_108 : memref<120x64xf32, #tpu.memory_space<vmem>>) dst(%dma_wait3A_105 : memref<120x64xf32, #tpu.memory_space<vmem_shared>>)
        tpu.yield
      }) : () -> ()
    } else {
    }
    "tpu.region"() ({
      %run_scoped3A = tpu.sem_alloc : memref<!tpu.dma_semaphore, #tpu.memory_space<semaphore_mem>>
      %dma_start3A_72 = arith.constant 0 : i32
      %dma_start3A_73 = tpu.memref_slice %arg11[%mul3A_0, %dma_start3A_72] : memref<10112x64xf32, #tpu.memory_space<vmem_shared>> -> memref<632x64xf32, #tpu.memory_space<vmem_shared>>
      %dma_start3A_74 = arith.constant 0 : i32
      %dma_start3A_75 = tpu.memref_slice %arg2[%mul3A_0, %dma_start3A_74] : memref<10112x64xf32, #tpu.memory_space<hbm>> -> memref<632x64xf32, #tpu.memory_space<hbm>>
      tpu.enqueue_dma source(%dma_start3A_75 : memref<632x64xf32, #tpu.memory_space<hbm>>) target(%dma_start3A_73 : memref<632x64xf32, #tpu.memory_space<vmem_shared>>) target_semaphore(%run_scoped3A : memref<!tpu.dma_semaphore, #tpu.memory_space<semaphore_mem>>)
      %dma_wait3A_76 = arith.constant 0 : i32
      %dma_wait3A_77 = tpu.memref_slice %arg11[%mul3A_0, %dma_wait3A_76] : memref<10112x64xf32, #tpu.memory_space<vmem_shared>> -> memref<632x64xf32, #tpu.memory_space<vmem_shared>>
      %dma_wait3A_78 = arith.constant 0 : i32
      %dma_wait3A_79 = tpu.memref_slice %arg2[%mul3A_0, %dma_wait3A_78] : memref<10112x64xf32, #tpu.memory_space<hbm>> -> memref<632x64xf32, #tpu.memory_space<hbm>>
      tpu.wait_dma2 semaphore(%run_scoped3A : memref<!tpu.dma_semaphore, #tpu.memory_space<semaphore_mem>>) src(%dma_wait3A_79 : memref<632x64xf32, #tpu.memory_space<hbm>>) dst(%dma_wait3A_77 : memref<632x64xf32, #tpu.memory_space<vmem_shared>>)
      tpu.yield
    }) : () -> ()
    %barrier3A = arith.constant 0 : index
    tpu.barrier barrier_id(%barrier3A)
    %dma_start3A = arith.constant 0 : i32
    %dma_start3A_12 = arith.constant 0 : i32
    %dma_start3A_13 = tpu.memref_slice %arg6[%dma_start3A, %dma_start3A_12] : memref<80x128xi32, #tpu.memory_space<vmem>> -> memref<1x128xi32, #tpu.memory_space<vmem>>
    %dma_start3A_14 = tpu.memref_squeeze %dma_start3A_13 : memref<1x128xi32, #tpu.memory_space<vmem>> -> memref<128xi32, #tpu.memory_space<vmem>>
    %dma_start3A_15 = arith.constant 0 : i32
    %dma_start3A_16 = arith.constant 0 : i32
    %dma_start3A_17 = tpu.memref_slice %arg11[%dma_start3A_15, %dma_start3A_16] : memref<10112x64xf32, #tpu.memory_space<vmem_shared>> -> memref<10112x64xf32, #tpu.memory_space<vmem_shared>>
    tpu.enqueue_indirect_dma source(%dma_start3A_17 : memref<10112x64xf32, #tpu.memory_space<vmem_shared>>) target(%arg8 : memref<128x64xf32, #tpu.memory_space<vmem>>) offsets(%dma_start3A_14 : memref<128xi32, #tpu.memory_space<vmem>>) semaphore(%arg12 : memref<!tpu.dma_semaphore, #tpu.memory_space<semaphore_mem>>)
    %dma_start3A_18 = arith.constant 1 : i32
    %dma_start3A_19 = arith.constant 0 : i32
    %dma_start3A_20 = tpu.memref_slice %arg6[%dma_start3A_18, %dma_start3A_19] : memref<80x128xi32, #tpu.memory_space<vmem>> -> memref<1x128xi32, #tpu.memory_space<vmem>>
    %dma_start3A_21 = tpu.memref_squeeze %dma_start3A_20 : memref<1x128xi32, #tpu.memory_space<vmem>> -> memref<128xi32, #tpu.memory_space<vmem>>
    %dma_start3A_22 = arith.constant 0 : i32
    %dma_start3A_23 = arith.constant 0 : i32
    %dma_start3A_24 = tpu.memref_slice %arg11[%dma_start3A_22, %dma_start3A_23] : memref<10112x64xf32, #tpu.memory_space<vmem_shared>> -> memref<10112x64xf32, #tpu.memory_space<vmem_shared>>
    tpu.enqueue_indirect_dma source(%dma_start3A_24 : memref<10112x64xf32, #tpu.memory_space<vmem_shared>>) target(%arg9 : memref<128x64xf32, #tpu.memory_space<vmem>>) offsets(%dma_start3A_21 : memref<128xi32, #tpu.memory_space<vmem>>) semaphore(%arg13 : memref<!tpu.dma_semaphore, #tpu.memory_space<semaphore_mem>>)
    %scan3A = arith.constant 0 : i32
    %scan3A_25 = arith.constant 0 : i32
    %scan3A_26 = arith.constant 39 : i32
    %scan3A_27 = arith.addi %scan3A_25, %scan3A_26 : i32
    %scan3A_28 = arith.constant 1 : i32
    scf.for %scan3A_72 = %scan3A_25 to %scan3A_27 step %scan3A_28  : i32 {
      %mul3A_73 = arith.constant 2 : i32
      %mul3A_74 = arith.muli %mul3A_73, %scan3A_72 : i32
      %add3A_75 = arith.constant 0 : i32
      %add3A_76 = arith.addi %mul3A_74, %add3A_75 : i32
      %dma_wait3A_77 = arith.constant 0 : i32
      %dma_wait3A_78 = tpu.memref_slice %arg6[%add3A_76, %dma_wait3A_77] : memref<80x128xi32, #tpu.memory_space<vmem>> -> memref<1x128xi32, #tpu.memory_space<vmem>>
      %dma_wait3A_79 = tpu.memref_squeeze %dma_wait3A_78 : memref<1x128xi32, #tpu.memory_space<vmem>> -> memref<128xi32, #tpu.memory_space<vmem>>
      %dma_wait3A_80 = arith.constant 0 : i32
      %dma_wait3A_81 = arith.constant 0 : i32
      %dma_wait3A_82 = tpu.memref_slice %arg11[%dma_wait3A_80, %dma_wait3A_81] : memref<10112x64xf32, #tpu.memory_space<vmem_shared>> -> memref<10112x64xf32, #tpu.memory_space<vmem_shared>>
      tpu.wait_indirect_dma semaphore(%arg12 : memref<!tpu.dma_semaphore, #tpu.memory_space<semaphore_mem>>) src(%dma_wait3A_82 : memref<10112x64xf32, #tpu.memory_space<vmem_shared>>) dst(%arg8 : memref<128x64xf32, #tpu.memory_space<vmem>>)
      %add3A_83 = arith.constant 0 : i32
      %add3A_84 = arith.addi %mul3A_74, %add3A_83 : i32
      %dma_start3A_85 = arith.constant 0 : i32
      %dma_start3A_86 = tpu.memref_slice %arg7[%add3A_84, %dma_start3A_85] : memref<80x128xi32, #tpu.memory_space<vmem>> -> memref<1x128xi32, #tpu.memory_space<vmem>>
      %dma_start3A_87 = tpu.memref_squeeze %dma_start3A_86 : memref<1x128xi32, #tpu.memory_space<vmem>> -> memref<128xi32, #tpu.memory_space<vmem>>
      %dma_start3A_88 = arith.constant 0 : i32
      %dma_start3A_89 = arith.constant 0 : i32
      %dma_start3A_90 = tpu.memref_slice %arg10[%dma_start3A_88, %dma_start3A_89] : memref<10112x64xf32, #tpu.memory_space<vmem_shared>> -> memref<10112x64xf32, #tpu.memory_space<vmem_shared>>
      tpu.enqueue_indirect_dma source(%arg8 : memref<128x64xf32, #tpu.memory_space<vmem>>) target(%dma_start3A_90 : memref<10112x64xf32, #tpu.memory_space<vmem_shared>>) offsets(%dma_start3A_87 : memref<128xi32, #tpu.memory_space<vmem>>) semaphore(%arg14 : memref<!tpu.dma_semaphore, #tpu.memory_space<semaphore_mem>>) {add = true}
      %add3A_91 = arith.constant 1 : i32
      %add3A_92 = arith.addi %mul3A_74, %add3A_91 : i32
      %dma_wait3A_93 = arith.constant 0 : i32
      %dma_wait3A_94 = tpu.memref_slice %arg6[%add3A_92, %dma_wait3A_93] : memref<80x128xi32, #tpu.memory_space<vmem>> -> memref<1x128xi32, #tpu.memory_space<vmem>>
      %dma_wait3A_95 = tpu.memref_squeeze %dma_wait3A_94 : memref<1x128xi32, #tpu.memory_space<vmem>> -> memref<128xi32, #tpu.memory_space<vmem>>
      %dma_wait3A_96 = arith.constant 0 : i32
      %dma_wait3A_97 = arith.constant 0 : i32
      %dma_wait3A_98 = tpu.memref_slice %arg11[%dma_wait3A_96, %dma_wait3A_97] : memref<10112x64xf32, #tpu.memory_space<vmem_shared>> -> memref<10112x64xf32, #tpu.memory_space<vmem_shared>>
      tpu.wait_indirect_dma semaphore(%arg13 : memref<!tpu.dma_semaphore, #tpu.memory_space<semaphore_mem>>) src(%dma_wait3A_98 : memref<10112x64xf32, #tpu.memory_space<vmem_shared>>) dst(%arg9 : memref<128x64xf32, #tpu.memory_space<vmem>>)
      %add3A_99 = arith.constant 1 : i32
      %add3A_100 = arith.addi %mul3A_74, %add3A_99 : i32
      %dma_start3A_101 = arith.constant 0 : i32
      %dma_start3A_102 = tpu.memref_slice %arg7[%add3A_100, %dma_start3A_101] : memref<80x128xi32, #tpu.memory_space<vmem>> -> memref<1x128xi32, #tpu.memory_space<vmem>>
      %dma_start3A_103 = tpu.memref_squeeze %dma_start3A_102 : memref<1x128xi32, #tpu.memory_space<vmem>> -> memref<128xi32, #tpu.memory_space<vmem>>
      %dma_start3A_104 = arith.constant 0 : i32
      %dma_start3A_105 = arith.constant 0 : i32
      %dma_start3A_106 = tpu.memref_slice %arg10[%dma_start3A_104, %dma_start3A_105] : memref<10112x64xf32, #tpu.memory_space<vmem_shared>> -> memref<10112x64xf32, #tpu.memory_space<vmem_shared>>
      tpu.enqueue_indirect_dma source(%arg9 : memref<128x64xf32, #tpu.memory_space<vmem>>) target(%dma_start3A_106 : memref<10112x64xf32, #tpu.memory_space<vmem_shared>>) offsets(%dma_start3A_103 : memref<128xi32, #tpu.memory_space<vmem>>) semaphore(%arg15 : memref<!tpu.dma_semaphore, #tpu.memory_space<semaphore_mem>>) {add = true}
      %add3A_107 = arith.constant 0 : i32
      %add3A_108 = arith.addi %mul3A_74, %add3A_107 : i32
      %dma_wait3A_109 = arith.constant 0 : i32
      %dma_wait3A_110 = tpu.memref_slice %arg7[%add3A_108, %dma_wait3A_109] : memref<80x128xi32, #tpu.memory_space<vmem>> -> memref<1x128xi32, #tpu.memory_space<vmem>>
      %dma_wait3A_111 = tpu.memref_squeeze %dma_wait3A_110 : memref<1x128xi32, #tpu.memory_space<vmem>> -> memref<128xi32, #tpu.memory_space<vmem>>
      %dma_wait3A_112 = arith.constant 0 : i32
      %dma_wait3A_113 = arith.constant 0 : i32
      %dma_wait3A_114 = tpu.memref_slice %arg10[%dma_wait3A_112, %dma_wait3A_113] : memref<10112x64xf32, #tpu.memory_space<vmem_shared>> -> memref<10112x64xf32, #tpu.memory_space<vmem_shared>>
      tpu.wait_indirect_dma semaphore(%arg14 : memref<!tpu.dma_semaphore, #tpu.memory_space<semaphore_mem>>) src(%arg8 : memref<128x64xf32, #tpu.memory_space<vmem>>) dst(%dma_wait3A_114 : memref<10112x64xf32, #tpu.memory_space<vmem_shared>>)
      %add3A_115 = arith.constant 0 : i32
      %add3A_116 = arith.addi %mul3A_74, %add3A_115 : i32
      %add3A_117 = arith.constant 2 : i32
      %add3A_118 = arith.addi %add3A_116, %add3A_117 : i32
      %dma_start3A_119 = arith.constant 0 : i32
      %dma_start3A_120 = tpu.memref_slice %arg6[%add3A_118, %dma_start3A_119] : memref<80x128xi32, #tpu.memory_space<vmem>> -> memref<1x128xi32, #tpu.memory_space<vmem>>
      %dma_start3A_121 = tpu.memref_squeeze %dma_start3A_120 : memref<1x128xi32, #tpu.memory_space<vmem>> -> memref<128xi32, #tpu.memory_space<vmem>>
      %dma_start3A_122 = arith.constant 0 : i32
      %dma_start3A_123 = arith.constant 0 : i32
      %dma_start3A_124 = tpu.memref_slice %arg11[%dma_start3A_122, %dma_start3A_123] : memref<10112x64xf32, #tpu.memory_space<vmem_shared>> -> memref<10112x64xf32, #tpu.memory_space<vmem_shared>>
      tpu.enqueue_indirect_dma source(%dma_start3A_124 : memref<10112x64xf32, #tpu.memory_space<vmem_shared>>) target(%arg8 : memref<128x64xf32, #tpu.memory_space<vmem>>) offsets(%dma_start3A_121 : memref<128xi32, #tpu.memory_space<vmem>>) semaphore(%arg12 : memref<!tpu.dma_semaphore, #tpu.memory_space<semaphore_mem>>)
      %add3A_125 = arith.constant 1 : i32
      %add3A_126 = arith.addi %mul3A_74, %add3A_125 : i32
      %dma_wait3A_127 = arith.constant 0 : i32
      %dma_wait3A_128 = tpu.memref_slice %arg7[%add3A_126, %dma_wait3A_127] : memref<80x128xi32, #tpu.memory_space<vmem>> -> memref<1x128xi32, #tpu.memory_space<vmem>>
      %dma_wait3A_129 = tpu.memref_squeeze %dma_wait3A_128 : memref<1x128xi32, #tpu.memory_space<vmem>> -> memref<128xi32, #tpu.memory_space<vmem>>
      %dma_wait3A_130 = arith.constant 0 : i32
      %dma_wait3A_131 = arith.constant 0 : i32
      %dma_wait3A_132 = tpu.memref_slice %arg10[%dma_wait3A_130, %dma_wait3A_131] : memref<10112x64xf32, #tpu.memory_space<vmem_shared>> -> memref<10112x64xf32, #tpu.memory_space<vmem_shared>>
      tpu.wait_indirect_dma semaphore(%arg15 : memref<!tpu.dma_semaphore, #tpu.memory_space<semaphore_mem>>) src(%arg9 : memref<128x64xf32, #tpu.memory_space<vmem>>) dst(%dma_wait3A_132 : memref<10112x64xf32, #tpu.memory_space<vmem_shared>>)
      %add3A_133 = arith.constant 1 : i32
      %add3A_134 = arith.addi %mul3A_74, %add3A_133 : i32
      %add3A_135 = arith.constant 2 : i32
      %add3A_136 = arith.addi %add3A_134, %add3A_135 : i32
      %dma_start3A_137 = arith.constant 0 : i32
      %dma_start3A_138 = tpu.memref_slice %arg6[%add3A_136, %dma_start3A_137] : memref<80x128xi32, #tpu.memory_space<vmem>> -> memref<1x128xi32, #tpu.memory_space<vmem>>
      %dma_start3A_139 = tpu.memref_squeeze %dma_start3A_138 : memref<1x128xi32, #tpu.memory_space<vmem>> -> memref<128xi32, #tpu.memory_space<vmem>>
      %dma_start3A_140 = arith.constant 0 : i32
      %dma_start3A_141 = arith.constant 0 : i32
      %dma_start3A_142 = tpu.memref_slice %arg11[%dma_start3A_140, %dma_start3A_141] : memref<10112x64xf32, #tpu.memory_space<vmem_shared>> -> memref<10112x64xf32, #tpu.memory_space<vmem_shared>>
      tpu.enqueue_indirect_dma source(%dma_start3A_142 : memref<10112x64xf32, #tpu.memory_space<vmem_shared>>) target(%arg9 : memref<128x64xf32, #tpu.memory_space<vmem>>) offsets(%dma_start3A_139 : memref<128xi32, #tpu.memory_space<vmem>>) semaphore(%arg13 : memref<!tpu.dma_semaphore, #tpu.memory_space<semaphore_mem>>)
    }
    %scan3A_29 = arith.constant 39 : i32
    %dma_wait3A = arith.constant 78 : i32
    %dma_wait3A_30 = arith.constant 0 : i32
    %dma_wait3A_31 = tpu.memref_slice %arg6[%dma_wait3A, %dma_wait3A_30] : memref<80x128xi32, #tpu.memory_space<vmem>> -> memref<1x128xi32, #tpu.memory_space<vmem>>
    %dma_wait3A_32 = tpu.memref_squeeze %dma_wait3A_31 : memref<1x128xi32, #tpu.memory_space<vmem>> -> memref<128xi32, #tpu.memory_space<vmem>>
    %dma_wait3A_33 = arith.constant 0 : i32
    %dma_wait3A_34 = arith.constant 0 : i32
    %dma_wait3A_35 = tpu.memref_slice %arg11[%dma_wait3A_33, %dma_wait3A_34] : memref<10112x64xf32, #tpu.memory_space<vmem_shared>> -> memref<10112x64xf32, #tpu.memory_space<vmem_shared>>
    tpu.wait_indirect_dma semaphore(%arg12 : memref<!tpu.dma_semaphore, #tpu.memory_space<semaphore_mem>>) src(%dma_wait3A_35 : memref<10112x64xf32, #tpu.memory_space<vmem_shared>>) dst(%arg8 : memref<128x64xf32, #tpu.memory_space<vmem>>)
    %dma_start3A_36 = arith.constant 78 : i32
    %dma_start3A_37 = arith.constant 0 : i32
    %dma_start3A_38 = tpu.memref_slice %arg7[%dma_start3A_36, %dma_start3A_37] : memref<80x128xi32, #tpu.memory_space<vmem>> -> memref<1x128xi32, #tpu.memory_space<vmem>>
    %dma_start3A_39 = tpu.memref_squeeze %dma_start3A_38 : memref<1x128xi32, #tpu.memory_space<vmem>> -> memref<128xi32, #tpu.memory_space<vmem>>
    %dma_start3A_40 = arith.constant 0 : i32
    %dma_start3A_41 = arith.constant 0 : i32
    %dma_start3A_42 = tpu.memref_slice %arg10[%dma_start3A_40, %dma_start3A_41] : memref<10112x64xf32, #tpu.memory_space<vmem_shared>> -> memref<10112x64xf32, #tpu.memory_space<vmem_shared>>
    tpu.enqueue_indirect_dma source(%arg8 : memref<128x64xf32, #tpu.memory_space<vmem>>) target(%dma_start3A_42 : memref<10112x64xf32, #tpu.memory_space<vmem_shared>>) offsets(%dma_start3A_39 : memref<128xi32, #tpu.memory_space<vmem>>) semaphore(%arg14 : memref<!tpu.dma_semaphore, #tpu.memory_space<semaphore_mem>>) {add = true}
    %dma_wait3A_43 = arith.constant 79 : i32
    %dma_wait3A_44 = arith.constant 0 : i32
    %dma_wait3A_45 = tpu.memref_slice %arg6[%dma_wait3A_43, %dma_wait3A_44] : memref<80x128xi32, #tpu.memory_space<vmem>> -> memref<1x128xi32, #tpu.memory_space<vmem>>
    %dma_wait3A_46 = tpu.memref_squeeze %dma_wait3A_45 : memref<1x128xi32, #tpu.memory_space<vmem>> -> memref<128xi32, #tpu.memory_space<vmem>>
    %dma_wait3A_47 = arith.constant 0 : i32
    %dma_wait3A_48 = arith.constant 0 : i32
    %dma_wait3A_49 = tpu.memref_slice %arg11[%dma_wait3A_47, %dma_wait3A_48] : memref<10112x64xf32, #tpu.memory_space<vmem_shared>> -> memref<10112x64xf32, #tpu.memory_space<vmem_shared>>
    tpu.wait_indirect_dma semaphore(%arg13 : memref<!tpu.dma_semaphore, #tpu.memory_space<semaphore_mem>>) src(%dma_wait3A_49 : memref<10112x64xf32, #tpu.memory_space<vmem_shared>>) dst(%arg9 : memref<128x64xf32, #tpu.memory_space<vmem>>)
    %dma_start3A_50 = arith.constant 79 : i32
    %dma_start3A_51 = arith.constant 0 : i32
    %dma_start3A_52 = tpu.memref_slice %arg7[%dma_start3A_50, %dma_start3A_51] : memref<80x128xi32, #tpu.memory_space<vmem>> -> memref<1x128xi32, #tpu.memory_space<vmem>>
    %dma_start3A_53 = tpu.memref_squeeze %dma_start3A_52 : memref<1x128xi32, #tpu.memory_space<vmem>> -> memref<128xi32, #tpu.memory_space<vmem>>
    %dma_start3A_54 = arith.constant 0 : i32
    %dma_start3A_55 = arith.constant 0 : i32
    %dma_start3A_56 = tpu.memref_slice %arg10[%dma_start3A_54, %dma_start3A_55] : memref<10112x64xf32, #tpu.memory_space<vmem_shared>> -> memref<10112x64xf32, #tpu.memory_space<vmem_shared>>
    tpu.enqueue_indirect_dma source(%arg9 : memref<128x64xf32, #tpu.memory_space<vmem>>) target(%dma_start3A_56 : memref<10112x64xf32, #tpu.memory_space<vmem_shared>>) offsets(%dma_start3A_53 : memref<128xi32, #tpu.memory_space<vmem>>) semaphore(%arg15 : memref<!tpu.dma_semaphore, #tpu.memory_space<semaphore_mem>>) {add = true}
    %dma_wait3A_57 = arith.constant 78 : i32
    %dma_wait3A_58 = arith.constant 0 : i32
    %dma_wait3A_59 = tpu.memref_slice %arg7[%dma_wait3A_57, %dma_wait3A_58] : memref<80x128xi32, #tpu.memory_space<vmem>> -> memref<1x128xi32, #tpu.memory_space<vmem>>
    %dma_wait3A_60 = tpu.memref_squeeze %dma_wait3A_59 : memref<1x128xi32, #tpu.memory_space<vmem>> -> memref<128xi32, #tpu.memory_space<vmem>>
    %dma_wait3A_61 = arith.constant 0 : i32
    %dma_wait3A_62 = arith.constant 0 : i32
    %dma_wait3A_63 = tpu.memref_slice %arg10[%dma_wait3A_61, %dma_wait3A_62] : memref<10112x64xf32, #tpu.memory_space<vmem_shared>> -> memref<10112x64xf32, #tpu.memory_space<vmem_shared>>
    tpu.wait_indirect_dma semaphore(%arg14 : memref<!tpu.dma_semaphore, #tpu.memory_space<semaphore_mem>>) src(%arg8 : memref<128x64xf32, #tpu.memory_space<vmem>>) dst(%dma_wait3A_63 : memref<10112x64xf32, #tpu.memory_space<vmem_shared>>)
    %dma_wait3A_64 = arith.constant 79 : i32
    %dma_wait3A_65 = arith.constant 0 : i32
    %dma_wait3A_66 = tpu.memref_slice %arg7[%dma_wait3A_64, %dma_wait3A_65] : memref<80x128xi32, #tpu.memory_space<vmem>> -> memref<1x128xi32, #tpu.memory_space<vmem>>
    %dma_wait3A_67 = tpu.memref_squeeze %dma_wait3A_66 : memref<1x128xi32, #tpu.memory_space<vmem>> -> memref<128xi32, #tpu.memory_space<vmem>>
    %dma_wait3A_68 = arith.constant 0 : i32
    %dma_wait3A_69 = arith.constant 0 : i32
    %dma_wait3A_70 = tpu.memref_slice %arg10[%dma_wait3A_68, %dma_wait3A_69] : memref<10112x64xf32, #tpu.memory_space<vmem_shared>> -> memref<10112x64xf32, #tpu.memory_space<vmem_shared>>
    tpu.wait_indirect_dma semaphore(%arg15 : memref<!tpu.dma_semaphore, #tpu.memory_space<semaphore_mem>>) src(%arg9 : memref<128x64xf32, #tpu.memory_space<vmem>>) dst(%dma_wait3A_70 : memref<10112x64xf32, #tpu.memory_space<vmem_shared>>)
    %barrier3A_71 = arith.constant 0 : index
    tpu.barrier barrier_id(%barrier3A_71)
    "tpu.region"() ({
      %run_scoped3A = tpu.sem_alloc : memref<!tpu.dma_semaphore, #tpu.memory_space<semaphore_mem>>
      %dma_start3A_72 = arith.constant 0 : i32
      %dma_start3A_73 = tpu.memref_slice %arg5[%arg0, %mul3A_0, %dma_start3A_72] : memref<2x10112x64xf32, #tpu.memory_space<hbm>> -> memref<1x632x64xf32, #tpu.memory_space<hbm>>
      %dma_start3A_74 = tpu.memref_squeeze %dma_start3A_73 : memref<1x632x64xf32, #tpu.memory_space<hbm>> -> memref<632x64xf32, #tpu.memory_space<hbm>>
      %dma_start3A_75 = arith.constant 0 : i32
      %dma_start3A_76 = tpu.memref_slice %arg10[%mul3A_0, %dma_start3A_75] : memref<10112x64xf32, #tpu.memory_space<vmem_shared>> -> memref<632x64xf32, #tpu.memory_space<vmem_shared>>
      tpu.enqueue_dma source(%dma_start3A_76 : memref<632x64xf32, #tpu.memory_space<vmem_shared>>) target(%dma_start3A_74 : memref<632x64xf32, #tpu.memory_space<hbm>>) target_semaphore(%run_scoped3A : memref<!tpu.dma_semaphore, #tpu.memory_space<semaphore_mem>>)
      %dma_wait3A_77 = arith.constant 0 : i32
      %dma_wait3A_78 = tpu.memref_slice %arg5[%arg0, %mul3A_0, %dma_wait3A_77] : memref<2x10112x64xf32, #tpu.memory_space<hbm>> -> memref<1x632x64xf32, #tpu.memory_space<hbm>>
      %dma_wait3A_79 = tpu.memref_squeeze %dma_wait3A_78 : memref<1x632x64xf32, #tpu.memory_space<hbm>> -> memref<632x64xf32, #tpu.memory_space<hbm>>
      %dma_wait3A_80 = arith.constant 0 : i32
      %dma_wait3A_81 = tpu.memref_slice %arg10[%mul3A_0, %dma_wait3A_80] : memref<10112x64xf32, #tpu.memory_space<vmem_shared>> -> memref<632x64xf32, #tpu.memory_space<vmem_shared>>
      tpu.wait_dma2 semaphore(%run_scoped3A : memref<!tpu.dma_semaphore, #tpu.memory_space<semaphore_mem>>) src(%dma_wait3A_81 : memref<632x64xf32, #tpu.memory_space<vmem_shared>>) dst(%dma_wait3A_79 : memref<632x64xf32, #tpu.memory_space<hbm>>)
      tpu.yield
    }) : () -> ()
    return
  }
}

#map = affine_map<(d0, d1) -> (0, 0)>
#map1 = affine_map<(d0, d1) -> (0, 0, 0)>
module attributes {stable_mosaic.version = 14 : i64} {
  func.func @edge_kernel(%arg0: i32, %arg1: i32, %arg2: memref<10112x16xf32, #tpu.memory_space<hbm>>, %arg3: memref<1280x256xi32, #tpu.memory_space<hbm>>, %arg4: memref<1280x256xi32, #tpu.memory_space<hbm>>, %arg5: memref<2x10112x16xf32, #tpu.memory_space<hbm>>, %arg6: memref<40x256xi32, #tpu.memory_space<vmem>>, %arg7: memref<40x256xi32, #tpu.memory_space<vmem>>, %arg8: memref<256x16xf32, #tpu.memory_space<vmem>>, %arg9: memref<256x16xf32, #tpu.memory_space<vmem>>, %arg10: memref<10112x16xf32, #tpu.memory_space<vmem_shared>>, %arg11: memref<10112x16xf32, #tpu.memory_space<vmem_shared>>, %arg12: memref<!tpu.dma_semaphore, #tpu.memory_space<semaphore_mem>>, %arg13: memref<!tpu.dma_semaphore, #tpu.memory_space<semaphore_mem>>, %arg14: memref<!tpu.dma_semaphore, #tpu.memory_space<semaphore_mem>>, %arg15: memref<!tpu.dma_semaphore, #tpu.memory_space<semaphore_mem>>) attributes {dimension_semantics = [#tpu.dimension_semantics<core_parallel>, #tpu.dimension_semantics<subcore_parallel>], iteration_bounds = array<i64: 2, 16>, scalar_prefetch = 0 : i64, scratch_operands = 10 : i64, tpu.core_type = #tpu.core_type<sc_vector_subcore>, window_params = [{transform_indices = #map}, {transform_indices = #map}, {transform_indices = #map}, {transform_indices = #map1}]} {
    %mul3A = arith.constant 632 : i32
    %mul3A_0 = arith.muli %arg1, %mul3A : i32
    %mul3A_1 = arith.constant 2 : i32
    %mul3A_2 = arith.muli %arg1, %mul3A_1 : i32
    %add3A = arith.addi %mul3A_2, %arg0 : i32
    %mul3A_3 = arith.constant 40 : i32
    %mul3A_4 = arith.muli %add3A, %mul3A_3 : i32
    "tpu.region"() ({
      %run_scoped3A = tpu.sem_alloc : memref<!tpu.dma_semaphore, #tpu.memory_space<semaphore_mem>>
      %dma_start3A_72 = arith.constant 0 : i32
      %dma_start3A_73 = tpu.memref_slice %arg3[%mul3A_4, %dma_start3A_72] : memref<1280x256xi32, #tpu.memory_space<hbm>> -> memref<40x256xi32, #tpu.memory_space<hbm>>
      %dma_start3A_74 = arith.constant 0 : i32
      %dma_start3A_75 = tpu.memref_slice %arg3[%mul3A_4, %dma_start3A_74] : memref<1280x256xi32, #tpu.memory_space<hbm>> -> memref<40x256xi32, #tpu.memory_space<hbm>>
      tpu.enqueue_dma source(%dma_start3A_75 : memref<40x256xi32, #tpu.memory_space<hbm>>) target(%arg6 : memref<40x256xi32, #tpu.memory_space<vmem>>) target_semaphore(%run_scoped3A : memref<!tpu.dma_semaphore, #tpu.memory_space<semaphore_mem>>)
      %dma_wait3A_76 = arith.constant 0 : i32
      %dma_wait3A_77 = tpu.memref_slice %arg3[%mul3A_4, %dma_wait3A_76] : memref<1280x256xi32, #tpu.memory_space<hbm>> -> memref<40x256xi32, #tpu.memory_space<hbm>>
      %dma_wait3A_78 = arith.constant 0 : i32
      %dma_wait3A_79 = tpu.memref_slice %arg3[%mul3A_4, %dma_wait3A_78] : memref<1280x256xi32, #tpu.memory_space<hbm>> -> memref<40x256xi32, #tpu.memory_space<hbm>>
      tpu.wait_dma2 semaphore(%run_scoped3A : memref<!tpu.dma_semaphore, #tpu.memory_space<semaphore_mem>>) src(%dma_wait3A_79 : memref<40x256xi32, #tpu.memory_space<hbm>>) dst(%arg6 : memref<40x256xi32, #tpu.memory_space<vmem>>)
      tpu.yield
    }) : () -> ()
    "tpu.region"() ({
      %run_scoped3A = tpu.sem_alloc : memref<!tpu.dma_semaphore, #tpu.memory_space<semaphore_mem>>
      %dma_start3A_72 = arith.constant 0 : i32
      %dma_start3A_73 = tpu.memref_slice %arg4[%mul3A_4, %dma_start3A_72] : memref<1280x256xi32, #tpu.memory_space<hbm>> -> memref<40x256xi32, #tpu.memory_space<hbm>>
      %dma_start3A_74 = arith.constant 0 : i32
      %dma_start3A_75 = tpu.memref_slice %arg4[%mul3A_4, %dma_start3A_74] : memref<1280x256xi32, #tpu.memory_space<hbm>> -> memref<40x256xi32, #tpu.memory_space<hbm>>
      tpu.enqueue_dma source(%dma_start3A_75 : memref<40x256xi32, #tpu.memory_space<hbm>>) target(%arg7 : memref<40x256xi32, #tpu.memory_space<vmem>>) target_semaphore(%run_scoped3A : memref<!tpu.dma_semaphore, #tpu.memory_space<semaphore_mem>>)
      %dma_wait3A_76 = arith.constant 0 : i32
      %dma_wait3A_77 = tpu.memref_slice %arg4[%mul3A_4, %dma_wait3A_76] : memref<1280x256xi32, #tpu.memory_space<hbm>> -> memref<40x256xi32, #tpu.memory_space<hbm>>
      %dma_wait3A_78 = arith.constant 0 : i32
      %dma_wait3A_79 = tpu.memref_slice %arg4[%mul3A_4, %dma_wait3A_78] : memref<1280x256xi32, #tpu.memory_space<hbm>> -> memref<40x256xi32, #tpu.memory_space<hbm>>
      tpu.wait_dma2 semaphore(%run_scoped3A : memref<!tpu.dma_semaphore, #tpu.memory_space<semaphore_mem>>) src(%dma_wait3A_79 : memref<40x256xi32, #tpu.memory_space<hbm>>) dst(%arg7 : memref<40x256xi32, #tpu.memory_space<vmem>>)
      tpu.yield
    }) : () -> ()
    %eq3A = arith.constant 0 : i32
    %eq3A_5 = arith.cmpi eq, %arg0, %eq3A : i32
    %convert_element_type3A = arith.extui %eq3A_5 : i1 to i32
    %cond3A = arith.constant 0 : i32
    %cond3A_6 = arith.cmpi ne, %convert_element_type3A, %cond3A : i32
    scf.if %cond3A_6 {
      "tpu.region"() ({
        %run_scoped3A = tpu.sem_alloc : memref<!tpu.dma_semaphore, #tpu.memory_space<semaphore_mem>>
        %dma_start3A_72 = arith.constant 0 : i32
        %dma_start3A_73 = tpu.memref_slice %arg10[%mul3A_0, %dma_start3A_72] : memref<10112x16xf32, #tpu.memory_space<vmem_shared>> -> memref<632x16xf32, #tpu.memory_space<vmem_shared>>
        %dma_start3A_74 = arith.constant 0 : i32
        %dma_start3A_75 = tpu.memref_slice %arg2[%mul3A_0, %dma_start3A_74] : memref<10112x16xf32, #tpu.memory_space<hbm>> -> memref<632x16xf32, #tpu.memory_space<hbm>>
        tpu.enqueue_dma source(%dma_start3A_75 : memref<632x16xf32, #tpu.memory_space<hbm>>) target(%dma_start3A_73 : memref<632x16xf32, #tpu.memory_space<vmem_shared>>) target_semaphore(%run_scoped3A : memref<!tpu.dma_semaphore, #tpu.memory_space<semaphore_mem>>)
        %dma_wait3A_76 = arith.constant 0 : i32
        %dma_wait3A_77 = tpu.memref_slice %arg10[%mul3A_0, %dma_wait3A_76] : memref<10112x16xf32, #tpu.memory_space<vmem_shared>> -> memref<632x16xf32, #tpu.memory_space<vmem_shared>>
        %dma_wait3A_78 = arith.constant 0 : i32
        %dma_wait3A_79 = tpu.memref_slice %arg2[%mul3A_0, %dma_wait3A_78] : memref<10112x16xf32, #tpu.memory_space<hbm>> -> memref<632x16xf32, #tpu.memory_space<hbm>>
        tpu.wait_dma2 semaphore(%run_scoped3A : memref<!tpu.dma_semaphore, #tpu.memory_space<semaphore_mem>>) src(%dma_wait3A_79 : memref<632x16xf32, #tpu.memory_space<hbm>>) dst(%dma_wait3A_77 : memref<632x16xf32, #tpu.memory_space<vmem_shared>>)
        tpu.yield
      }) : () -> ()
    } else {
    }
    %eq3A_7 = arith.constant 1 : i32
    %eq3A_8 = arith.cmpi eq, %arg0, %eq3A_7 : i32
    %convert_element_type3A_9 = arith.extui %eq3A_8 : i1 to i32
    %cond3A_10 = arith.constant 0 : i32
    %cond3A_11 = arith.cmpi ne, %convert_element_type3A_9, %cond3A_10 : i32
    scf.if %cond3A_11 {
      %broadcast_in_dim3A = arith.constant 0.000000e+00 : f32
      %broadcast_in_dim3A_72 = vector.broadcast %broadcast_in_dim3A : f32 to vector<16xf32>
      %scan3A_73 = arith.constant 0 : i32
      %scan3A_74 = arith.constant 0 : i32
      %scan3A_75 = arith.constant 256 : i32
      %scan3A_76 = arith.addi %scan3A_74, %scan3A_75 : i32
      %scan3A_77 = arith.constant 1 : i32
      scf.for %scan3A_85 = %scan3A_74 to %scan3A_76 step %scan3A_77  : i32 {
        %swap3A = arith.index_cast %scan3A_85 : i32 to index
        %swap3A_86 = arith.constant 0 : index
        %swap3A_87 = tpu.vector_load %arg8[%swap3A, %swap3A_86] {strides = array<i32>} : memref<256x16xf32, #tpu.memory_space<vmem>>, vector<1x16xf32>,
        %swap3A_88 = vector.shape_cast %swap3A_87 : vector<1x16xf32> to vector<16xf32>
        %swap3A_89 = vector.shape_cast %broadcast_in_dim3A_72 : vector<16xf32> to vector<1x16xf32>
        tpu.vector_store %arg8[%swap3A, %swap3A_86], %swap3A_89 {strides = array<i32>} : memref<256x16xf32, #tpu.memory_space<vmem>>, vector<1x16xf32>,
      }
      %scan3A_78 = arith.constant 256 : i32
      %add3A_79 = arith.constant 0 : i32
      %add3A_80 = arith.addi %mul3A_0, %add3A_79 : i32
      "tpu.region"() ({
        %run_scoped3A = tpu.sem_alloc : memref<!tpu.dma_semaphore, #tpu.memory_space<semaphore_mem>>
        %dma_start3A_85 = arith.constant 0 : i32
        %dma_start3A_86 = tpu.memref_slice %arg10[%add3A_80, %dma_start3A_85] : memref<10112x16xf32, #tpu.memory_space<vmem_shared>> -> memref<256x16xf32, #tpu.memory_space<vmem_shared>>
        %dma_start3A_87 = arith.constant 0 : i32
        %dma_start3A_88 = tpu.memref_slice %arg10[%add3A_80, %dma_start3A_87] : memref<10112x16xf32, #tpu.memory_space<vmem_shared>> -> memref<256x16xf32, #tpu.memory_space<vmem_shared>>
        tpu.enqueue_dma source(%arg8 : memref<256x16xf32, #tpu.memory_space<vmem>>) target(%dma_start3A_88 : memref<256x16xf32, #tpu.memory_space<vmem_shared>>) target_semaphore(%run_scoped3A : memref<!tpu.dma_semaphore, #tpu.memory_space<semaphore_mem>>)
        %dma_wait3A_89 = arith.constant 0 : i32
        %dma_wait3A_90 = tpu.memref_slice %arg10[%add3A_80, %dma_wait3A_89] : memref<10112x16xf32, #tpu.memory_space<vmem_shared>> -> memref<256x16xf32, #tpu.memory_space<vmem_shared>>
        %dma_wait3A_91 = arith.constant 0 : i32
        %dma_wait3A_92 = tpu.memref_slice %arg10[%add3A_80, %dma_wait3A_91] : memref<10112x16xf32, #tpu.memory_space<vmem_shared>> -> memref<256x16xf32, #tpu.memory_space<vmem_shared>>
        tpu.wait_dma2 semaphore(%run_scoped3A : memref<!tpu.dma_semaphore, #tpu.memory_space<semaphore_mem>>) src(%arg8 : memref<256x16xf32, #tpu.memory_space<vmem>>) dst(%dma_wait3A_92 : memref<256x16xf32, #tpu.memory_space<vmem_shared>>)
        tpu.yield
      }) : () -> ()
      %add3A_81 = arith.constant 256 : i32
      %add3A_82 = arith.addi %mul3A_0, %add3A_81 : i32
      "tpu.region"() ({
        %run_scoped3A = tpu.sem_alloc : memref<!tpu.dma_semaphore, #tpu.memory_space<semaphore_mem>>
        %dma_start3A_85 = arith.constant 0 : i32
        %dma_start3A_86 = tpu.memref_slice %arg10[%add3A_82, %dma_start3A_85] : memref<10112x16xf32, #tpu.memory_space<vmem_shared>> -> memref<256x16xf32, #tpu.memory_space<vmem_shared>>
        %dma_start3A_87 = arith.constant 0 : i32
        %dma_start3A_88 = tpu.memref_slice %arg10[%add3A_82, %dma_start3A_87] : memref<10112x16xf32, #tpu.memory_space<vmem_shared>> -> memref<256x16xf32, #tpu.memory_space<vmem_shared>>
        tpu.enqueue_dma source(%arg8 : memref<256x16xf32, #tpu.memory_space<vmem>>) target(%dma_start3A_88 : memref<256x16xf32, #tpu.memory_space<vmem_shared>>) target_semaphore(%run_scoped3A : memref<!tpu.dma_semaphore, #tpu.memory_space<semaphore_mem>>)
        %dma_wait3A_89 = arith.constant 0 : i32
        %dma_wait3A_90 = tpu.memref_slice %arg10[%add3A_82, %dma_wait3A_89] : memref<10112x16xf32, #tpu.memory_space<vmem_shared>> -> memref<256x16xf32, #tpu.memory_space<vmem_shared>>
        %dma_wait3A_91 = arith.constant 0 : i32
        %dma_wait3A_92 = tpu.memref_slice %arg10[%add3A_82, %dma_wait3A_91] : memref<10112x16xf32, #tpu.memory_space<vmem_shared>> -> memref<256x16xf32, #tpu.memory_space<vmem_shared>>
        tpu.wait_dma2 semaphore(%run_scoped3A : memref<!tpu.dma_semaphore, #tpu.memory_space<semaphore_mem>>) src(%arg8 : memref<256x16xf32, #tpu.memory_space<vmem>>) dst(%dma_wait3A_92 : memref<256x16xf32, #tpu.memory_space<vmem_shared>>)
        tpu.yield
      }) : () -> ()
      %add3A_83 = arith.constant 512 : i32
      %add3A_84 = arith.addi %mul3A_0, %add3A_83 : i32
      "tpu.region"() ({
        %run_scoped3A = tpu.sem_alloc : memref<!tpu.dma_semaphore, #tpu.memory_space<semaphore_mem>>
        %dma_start3A_85 = arith.constant 0 : i32
        %dma_start3A_86 = arith.constant 0 : i32
        %dma_start3A_87 = tpu.memref_slice %arg8[%dma_start3A_85, %dma_start3A_86] : memref<256x16xf32, #tpu.memory_space<vmem>> -> memref<120x16xf32, #tpu.memory_space<vmem>>
        %dma_start3A_88 = arith.constant 0 : i32
        %dma_start3A_89 = tpu.memref_slice %arg10[%add3A_84, %dma_start3A_88] : memref<10112x16xf32, #tpu.memory_space<vmem_shared>> -> memref<120x16xf32, #tpu.memory_space<vmem_shared>>
        %dma_start3A_90 = arith.constant 0 : i32
        %dma_start3A_91 = tpu.memref_slice %arg10[%add3A_84, %dma_start3A_90] : memref<10112x16xf32, #tpu.memory_space<vmem_shared>> -> memref<120x16xf32, #tpu.memory_space<vmem_shared>>
        %dma_start3A_92 = arith.constant 0 : i32
        %dma_start3A_93 = arith.constant 0 : i32
        %dma_start3A_94 = tpu.memref_slice %arg8[%dma_start3A_92, %dma_start3A_93] : memref<256x16xf32, #tpu.memory_space<vmem>> -> memref<120x16xf32, #tpu.memory_space<vmem>>
        tpu.enqueue_dma source(%dma_start3A_94 : memref<120x16xf32, #tpu.memory_space<vmem>>) target(%dma_start3A_91 : memref<120x16xf32, #tpu.memory_space<vmem_shared>>) target_semaphore(%run_scoped3A : memref<!tpu.dma_semaphore, #tpu.memory_space<semaphore_mem>>)
        %dma_wait3A_95 = arith.constant 0 : i32
        %dma_wait3A_96 = arith.constant 0 : i32
        %dma_wait3A_97 = tpu.memref_slice %arg8[%dma_wait3A_95, %dma_wait3A_96] : memref<256x16xf32, #tpu.memory_space<vmem>> -> memref<120x16xf32, #tpu.memory_space<vmem>>
        %dma_wait3A_98 = arith.constant 0 : i32
        %dma_wait3A_99 = tpu.memref_slice %arg10[%add3A_84, %dma_wait3A_98] : memref<10112x16xf32, #tpu.memory_space<vmem_shared>> -> memref<120x16xf32, #tpu.memory_space<vmem_shared>>
        %dma_wait3A_100 = arith.constant 0 : i32
        %dma_wait3A_101 = tpu.memref_slice %arg10[%add3A_84, %dma_wait3A_100] : memref<10112x16xf32, #tpu.memory_space<vmem_shared>> -> memref<120x16xf32, #tpu.memory_space<vmem_shared>>
        %dma_wait3A_102 = arith.constant 0 : i32
        %dma_wait3A_103 = arith.constant 0 : i32
        %dma_wait3A_104 = tpu.memref_slice %arg8[%dma_wait3A_102, %dma_wait3A_103] : memref<256x16xf32, #tpu.memory_space<vmem>> -> memref<120x16xf32, #tpu.memory_space<vmem>>
        tpu.wait_dma2 semaphore(%run_scoped3A : memref<!tpu.dma_semaphore, #tpu.memory_space<semaphore_mem>>) src(%dma_wait3A_104 : memref<120x16xf32, #tpu.memory_space<vmem>>) dst(%dma_wait3A_101 : memref<120x16xf32, #tpu.memory_space<vmem_shared>>)
        tpu.yield
      }) : () -> ()
    } else {
    }
    "tpu.region"() ({
      %run_scoped3A = tpu.sem_alloc : memref<!tpu.dma_semaphore, #tpu.memory_space<semaphore_mem>>
      %dma_start3A_72 = arith.constant 0 : i32
      %dma_start3A_73 = tpu.memref_slice %arg11[%mul3A_0, %dma_start3A_72] : memref<10112x16xf32, #tpu.memory_space<vmem_shared>> -> memref<632x16xf32, #tpu.memory_space<vmem_shared>>
      %dma_start3A_74 = arith.constant 0 : i32
      %dma_start3A_75 = tpu.memref_slice %arg2[%mul3A_0, %dma_start3A_74] : memref<10112x16xf32, #tpu.memory_space<hbm>> -> memref<632x16xf32, #tpu.memory_space<hbm>>
      tpu.enqueue_dma source(%dma_start3A_75 : memref<632x16xf32, #tpu.memory_space<hbm>>) target(%dma_start3A_73 : memref<632x16xf32, #tpu.memory_space<vmem_shared>>) target_semaphore(%run_scoped3A : memref<!tpu.dma_semaphore, #tpu.memory_space<semaphore_mem>>)
      %dma_wait3A_76 = arith.constant 0 : i32
      %dma_wait3A_77 = tpu.memref_slice %arg11[%mul3A_0, %dma_wait3A_76] : memref<10112x16xf32, #tpu.memory_space<vmem_shared>> -> memref<632x16xf32, #tpu.memory_space<vmem_shared>>
      %dma_wait3A_78 = arith.constant 0 : i32
      %dma_wait3A_79 = tpu.memref_slice %arg2[%mul3A_0, %dma_wait3A_78] : memref<10112x16xf32, #tpu.memory_space<hbm>> -> memref<632x16xf32, #tpu.memory_space<hbm>>
      tpu.wait_dma2 semaphore(%run_scoped3A : memref<!tpu.dma_semaphore, #tpu.memory_space<semaphore_mem>>) src(%dma_wait3A_79 : memref<632x16xf32, #tpu.memory_space<hbm>>) dst(%dma_wait3A_77 : memref<632x16xf32, #tpu.memory_space<vmem_shared>>)
      tpu.yield
    }) : () -> ()
    %barrier3A = arith.constant 0 : index
    tpu.barrier barrier_id(%barrier3A)
    %dma_start3A = arith.constant 0 : i32
    %dma_start3A_12 = arith.constant 0 : i32
    %dma_start3A_13 = tpu.memref_slice %arg6[%dma_start3A, %dma_start3A_12] : memref<40x256xi32, #tpu.memory_space<vmem>> -> memref<1x256xi32, #tpu.memory_space<vmem>>
    %dma_start3A_14 = tpu.memref_squeeze %dma_start3A_13 : memref<1x256xi32, #tpu.memory_space<vmem>> -> memref<256xi32, #tpu.memory_space<vmem>>
    %dma_start3A_15 = arith.constant 0 : i32
    %dma_start3A_16 = arith.constant 0 : i32
    %dma_start3A_17 = tpu.memref_slice %arg11[%dma_start3A_15, %dma_start3A_16] : memref<10112x16xf32, #tpu.memory_space<vmem_shared>> -> memref<10112x16xf32, #tpu.memory_space<vmem_shared>>
    tpu.enqueue_indirect_dma source(%dma_start3A_17 : memref<10112x16xf32, #tpu.memory_space<vmem_shared>>) target(%arg8 : memref<256x16xf32, #tpu.memory_space<vmem>>) offsets(%dma_start3A_14 : memref<256xi32, #tpu.memory_space<vmem>>) semaphore(%arg12 : memref<!tpu.dma_semaphore, #tpu.memory_space<semaphore_mem>>)
    %dma_start3A_18 = arith.constant 1 : i32
    %dma_start3A_19 = arith.constant 0 : i32
    %dma_start3A_20 = tpu.memref_slice %arg6[%dma_start3A_18, %dma_start3A_19] : memref<40x256xi32, #tpu.memory_space<vmem>> -> memref<1x256xi32, #tpu.memory_space<vmem>>
    %dma_start3A_21 = tpu.memref_squeeze %dma_start3A_20 : memref<1x256xi32, #tpu.memory_space<vmem>> -> memref<256xi32, #tpu.memory_space<vmem>>
    %dma_start3A_22 = arith.constant 0 : i32
    %dma_start3A_23 = arith.constant 0 : i32
    %dma_start3A_24 = tpu.memref_slice %arg11[%dma_start3A_22, %dma_start3A_23] : memref<10112x16xf32, #tpu.memory_space<vmem_shared>> -> memref<10112x16xf32, #tpu.memory_space<vmem_shared>>
    tpu.enqueue_indirect_dma source(%dma_start3A_24 : memref<10112x16xf32, #tpu.memory_space<vmem_shared>>) target(%arg9 : memref<256x16xf32, #tpu.memory_space<vmem>>) offsets(%dma_start3A_21 : memref<256xi32, #tpu.memory_space<vmem>>) semaphore(%arg13 : memref<!tpu.dma_semaphore, #tpu.memory_space<semaphore_mem>>)
    %scan3A = arith.constant 0 : i32
    %scan3A_25 = arith.constant 0 : i32
    %scan3A_26 = arith.constant 19 : i32
    %scan3A_27 = arith.addi %scan3A_25, %scan3A_26 : i32
    %scan3A_28 = arith.constant 1 : i32
    scf.for %scan3A_72 = %scan3A_25 to %scan3A_27 step %scan3A_28  : i32 {
      %mul3A_73 = arith.constant 2 : i32
      %mul3A_74 = arith.muli %mul3A_73, %scan3A_72 : i32
      %add3A_75 = arith.constant 0 : i32
      %add3A_76 = arith.addi %mul3A_74, %add3A_75 : i32
      %dma_wait3A_77 = arith.constant 0 : i32
      %dma_wait3A_78 = tpu.memref_slice %arg6[%add3A_76, %dma_wait3A_77] : memref<40x256xi32, #tpu.memory_space<vmem>> -> memref<1x256xi32, #tpu.memory_space<vmem>>
      %dma_wait3A_79 = tpu.memref_squeeze %dma_wait3A_78 : memref<1x256xi32, #tpu.memory_space<vmem>> -> memref<256xi32, #tpu.memory_space<vmem>>
      %dma_wait3A_80 = arith.constant 0 : i32
      %dma_wait3A_81 = arith.constant 0 : i32
      %dma_wait3A_82 = tpu.memref_slice %arg11[%dma_wait3A_80, %dma_wait3A_81] : memref<10112x16xf32, #tpu.memory_space<vmem_shared>> -> memref<10112x16xf32, #tpu.memory_space<vmem_shared>>
      tpu.wait_indirect_dma semaphore(%arg12 : memref<!tpu.dma_semaphore, #tpu.memory_space<semaphore_mem>>) src(%dma_wait3A_82 : memref<10112x16xf32, #tpu.memory_space<vmem_shared>>) dst(%arg8 : memref<256x16xf32, #tpu.memory_space<vmem>>)
      %add3A_83 = arith.constant 0 : i32
      %add3A_84 = arith.addi %mul3A_74, %add3A_83 : i32
      %dma_start3A_85 = arith.constant 0 : i32
      %dma_start3A_86 = tpu.memref_slice %arg7[%add3A_84, %dma_start3A_85] : memref<40x256xi32, #tpu.memory_space<vmem>> -> memref<1x256xi32, #tpu.memory_space<vmem>>
      %dma_start3A_87 = tpu.memref_squeeze %dma_start3A_86 : memref<1x256xi32, #tpu.memory_space<vmem>> -> memref<256xi32, #tpu.memory_space<vmem>>
      %dma_start3A_88 = arith.constant 0 : i32
      %dma_start3A_89 = arith.constant 0 : i32
      %dma_start3A_90 = tpu.memref_slice %arg10[%dma_start3A_88, %dma_start3A_89] : memref<10112x16xf32, #tpu.memory_space<vmem_shared>> -> memref<10112x16xf32, #tpu.memory_space<vmem_shared>>
      tpu.enqueue_indirect_dma source(%arg8 : memref<256x16xf32, #tpu.memory_space<vmem>>) target(%dma_start3A_90 : memref<10112x16xf32, #tpu.memory_space<vmem_shared>>) offsets(%dma_start3A_87 : memref<256xi32, #tpu.memory_space<vmem>>) semaphore(%arg14 : memref<!tpu.dma_semaphore, #tpu.memory_space<semaphore_mem>>) {add = true}
      %add3A_91 = arith.constant 1 : i32
      %add3A_92 = arith.addi %mul3A_74, %add3A_91 : i32
      %dma_wait3A_93 = arith.constant 0 : i32
      %dma_wait3A_94 = tpu.memref_slice %arg6[%add3A_92, %dma_wait3A_93] : memref<40x256xi32, #tpu.memory_space<vmem>> -> memref<1x256xi32, #tpu.memory_space<vmem>>
      %dma_wait3A_95 = tpu.memref_squeeze %dma_wait3A_94 : memref<1x256xi32, #tpu.memory_space<vmem>> -> memref<256xi32, #tpu.memory_space<vmem>>
      %dma_wait3A_96 = arith.constant 0 : i32
      %dma_wait3A_97 = arith.constant 0 : i32
      %dma_wait3A_98 = tpu.memref_slice %arg11[%dma_wait3A_96, %dma_wait3A_97] : memref<10112x16xf32, #tpu.memory_space<vmem_shared>> -> memref<10112x16xf32, #tpu.memory_space<vmem_shared>>
      tpu.wait_indirect_dma semaphore(%arg13 : memref<!tpu.dma_semaphore, #tpu.memory_space<semaphore_mem>>) src(%dma_wait3A_98 : memref<10112x16xf32, #tpu.memory_space<vmem_shared>>) dst(%arg9 : memref<256x16xf32, #tpu.memory_space<vmem>>)
      %add3A_99 = arith.constant 1 : i32
      %add3A_100 = arith.addi %mul3A_74, %add3A_99 : i32
      %dma_start3A_101 = arith.constant 0 : i32
      %dma_start3A_102 = tpu.memref_slice %arg7[%add3A_100, %dma_start3A_101] : memref<40x256xi32, #tpu.memory_space<vmem>> -> memref<1x256xi32, #tpu.memory_space<vmem>>
      %dma_start3A_103 = tpu.memref_squeeze %dma_start3A_102 : memref<1x256xi32, #tpu.memory_space<vmem>> -> memref<256xi32, #tpu.memory_space<vmem>>
      %dma_start3A_104 = arith.constant 0 : i32
      %dma_start3A_105 = arith.constant 0 : i32
      %dma_start3A_106 = tpu.memref_slice %arg10[%dma_start3A_104, %dma_start3A_105] : memref<10112x16xf32, #tpu.memory_space<vmem_shared>> -> memref<10112x16xf32, #tpu.memory_space<vmem_shared>>
      tpu.enqueue_indirect_dma source(%arg9 : memref<256x16xf32, #tpu.memory_space<vmem>>) target(%dma_start3A_106 : memref<10112x16xf32, #tpu.memory_space<vmem_shared>>) offsets(%dma_start3A_103 : memref<256xi32, #tpu.memory_space<vmem>>) semaphore(%arg15 : memref<!tpu.dma_semaphore, #tpu.memory_space<semaphore_mem>>) {add = true}
      %add3A_107 = arith.constant 0 : i32
      %add3A_108 = arith.addi %mul3A_74, %add3A_107 : i32
      %dma_wait3A_109 = arith.constant 0 : i32
      %dma_wait3A_110 = tpu.memref_slice %arg7[%add3A_108, %dma_wait3A_109] : memref<40x256xi32, #tpu.memory_space<vmem>> -> memref<1x256xi32, #tpu.memory_space<vmem>>
      %dma_wait3A_111 = tpu.memref_squeeze %dma_wait3A_110 : memref<1x256xi32, #tpu.memory_space<vmem>> -> memref<256xi32, #tpu.memory_space<vmem>>
      %dma_wait3A_112 = arith.constant 0 : i32
      %dma_wait3A_113 = arith.constant 0 : i32
      %dma_wait3A_114 = tpu.memref_slice %arg10[%dma_wait3A_112, %dma_wait3A_113] : memref<10112x16xf32, #tpu.memory_space<vmem_shared>> -> memref<10112x16xf32, #tpu.memory_space<vmem_shared>>
      tpu.wait_indirect_dma semaphore(%arg14 : memref<!tpu.dma_semaphore, #tpu.memory_space<semaphore_mem>>) src(%arg8 : memref<256x16xf32, #tpu.memory_space<vmem>>) dst(%dma_wait3A_114 : memref<10112x16xf32, #tpu.memory_space<vmem_shared>>)
      %add3A_115 = arith.constant 0 : i32
      %add3A_116 = arith.addi %mul3A_74, %add3A_115 : i32
      %add3A_117 = arith.constant 2 : i32
      %add3A_118 = arith.addi %add3A_116, %add3A_117 : i32
      %dma_start3A_119 = arith.constant 0 : i32
      %dma_start3A_120 = tpu.memref_slice %arg6[%add3A_118, %dma_start3A_119] : memref<40x256xi32, #tpu.memory_space<vmem>> -> memref<1x256xi32, #tpu.memory_space<vmem>>
      %dma_start3A_121 = tpu.memref_squeeze %dma_start3A_120 : memref<1x256xi32, #tpu.memory_space<vmem>> -> memref<256xi32, #tpu.memory_space<vmem>>
      %dma_start3A_122 = arith.constant 0 : i32
      %dma_start3A_123 = arith.constant 0 : i32
      %dma_start3A_124 = tpu.memref_slice %arg11[%dma_start3A_122, %dma_start3A_123] : memref<10112x16xf32, #tpu.memory_space<vmem_shared>> -> memref<10112x16xf32, #tpu.memory_space<vmem_shared>>
      tpu.enqueue_indirect_dma source(%dma_start3A_124 : memref<10112x16xf32, #tpu.memory_space<vmem_shared>>) target(%arg8 : memref<256x16xf32, #tpu.memory_space<vmem>>) offsets(%dma_start3A_121 : memref<256xi32, #tpu.memory_space<vmem>>) semaphore(%arg12 : memref<!tpu.dma_semaphore, #tpu.memory_space<semaphore_mem>>)
      %add3A_125 = arith.constant 1 : i32
      %add3A_126 = arith.addi %mul3A_74, %add3A_125 : i32
      %dma_wait3A_127 = arith.constant 0 : i32
      %dma_wait3A_128 = tpu.memref_slice %arg7[%add3A_126, %dma_wait3A_127] : memref<40x256xi32, #tpu.memory_space<vmem>> -> memref<1x256xi32, #tpu.memory_space<vmem>>
      %dma_wait3A_129 = tpu.memref_squeeze %dma_wait3A_128 : memref<1x256xi32, #tpu.memory_space<vmem>> -> memref<256xi32, #tpu.memory_space<vmem>>
      %dma_wait3A_130 = arith.constant 0 : i32
      %dma_wait3A_131 = arith.constant 0 : i32
      %dma_wait3A_132 = tpu.memref_slice %arg10[%dma_wait3A_130, %dma_wait3A_131] : memref<10112x16xf32, #tpu.memory_space<vmem_shared>> -> memref<10112x16xf32, #tpu.memory_space<vmem_shared>>
      tpu.wait_indirect_dma semaphore(%arg15 : memref<!tpu.dma_semaphore, #tpu.memory_space<semaphore_mem>>) src(%arg9 : memref<256x16xf32, #tpu.memory_space<vmem>>) dst(%dma_wait3A_132 : memref<10112x16xf32, #tpu.memory_space<vmem_shared>>)
      %add3A_133 = arith.constant 1 : i32
      %add3A_134 = arith.addi %mul3A_74, %add3A_133 : i32
      %add3A_135 = arith.constant 2 : i32
      %add3A_136 = arith.addi %add3A_134, %add3A_135 : i32
      %dma_start3A_137 = arith.constant 0 : i32
      %dma_start3A_138 = tpu.memref_slice %arg6[%add3A_136, %dma_start3A_137] : memref<40x256xi32, #tpu.memory_space<vmem>> -> memref<1x256xi32, #tpu.memory_space<vmem>>
      %dma_start3A_139 = tpu.memref_squeeze %dma_start3A_138 : memref<1x256xi32, #tpu.memory_space<vmem>> -> memref<256xi32, #tpu.memory_space<vmem>>
      %dma_start3A_140 = arith.constant 0 : i32
      %dma_start3A_141 = arith.constant 0 : i32
      %dma_start3A_142 = tpu.memref_slice %arg11[%dma_start3A_140, %dma_start3A_141] : memref<10112x16xf32, #tpu.memory_space<vmem_shared>> -> memref<10112x16xf32, #tpu.memory_space<vmem_shared>>
      tpu.enqueue_indirect_dma source(%dma_start3A_142 : memref<10112x16xf32, #tpu.memory_space<vmem_shared>>) target(%arg9 : memref<256x16xf32, #tpu.memory_space<vmem>>) offsets(%dma_start3A_139 : memref<256xi32, #tpu.memory_space<vmem>>) semaphore(%arg13 : memref<!tpu.dma_semaphore, #tpu.memory_space<semaphore_mem>>)
    }
    %scan3A_29 = arith.constant 19 : i32
    %dma_wait3A = arith.constant 38 : i32
    %dma_wait3A_30 = arith.constant 0 : i32
    %dma_wait3A_31 = tpu.memref_slice %arg6[%dma_wait3A, %dma_wait3A_30] : memref<40x256xi32, #tpu.memory_space<vmem>> -> memref<1x256xi32, #tpu.memory_space<vmem>>
    %dma_wait3A_32 = tpu.memref_squeeze %dma_wait3A_31 : memref<1x256xi32, #tpu.memory_space<vmem>> -> memref<256xi32, #tpu.memory_space<vmem>>
    %dma_wait3A_33 = arith.constant 0 : i32
    %dma_wait3A_34 = arith.constant 0 : i32
    %dma_wait3A_35 = tpu.memref_slice %arg11[%dma_wait3A_33, %dma_wait3A_34] : memref<10112x16xf32, #tpu.memory_space<vmem_shared>> -> memref<10112x16xf32, #tpu.memory_space<vmem_shared>>
    tpu.wait_indirect_dma semaphore(%arg12 : memref<!tpu.dma_semaphore, #tpu.memory_space<semaphore_mem>>) src(%dma_wait3A_35 : memref<10112x16xf32, #tpu.memory_space<vmem_shared>>) dst(%arg8 : memref<256x16xf32, #tpu.memory_space<vmem>>)
    %dma_start3A_36 = arith.constant 38 : i32
    %dma_start3A_37 = arith.constant 0 : i32
    %dma_start3A_38 = tpu.memref_slice %arg7[%dma_start3A_36, %dma_start3A_37] : memref<40x256xi32, #tpu.memory_space<vmem>> -> memref<1x256xi32, #tpu.memory_space<vmem>>
    %dma_start3A_39 = tpu.memref_squeeze %dma_start3A_38 : memref<1x256xi32, #tpu.memory_space<vmem>> -> memref<256xi32, #tpu.memory_space<vmem>>
    %dma_start3A_40 = arith.constant 0 : i32
    %dma_start3A_41 = arith.constant 0 : i32
    %dma_start3A_42 = tpu.memref_slice %arg10[%dma_start3A_40, %dma_start3A_41] : memref<10112x16xf32, #tpu.memory_space<vmem_shared>> -> memref<10112x16xf32, #tpu.memory_space<vmem_shared>>
    tpu.enqueue_indirect_dma source(%arg8 : memref<256x16xf32, #tpu.memory_space<vmem>>) target(%dma_start3A_42 : memref<10112x16xf32, #tpu.memory_space<vmem_shared>>) offsets(%dma_start3A_39 : memref<256xi32, #tpu.memory_space<vmem>>) semaphore(%arg14 : memref<!tpu.dma_semaphore, #tpu.memory_space<semaphore_mem>>) {add = true}
    %dma_wait3A_43 = arith.constant 39 : i32
    %dma_wait3A_44 = arith.constant 0 : i32
    %dma_wait3A_45 = tpu.memref_slice %arg6[%dma_wait3A_43, %dma_wait3A_44] : memref<40x256xi32, #tpu.memory_space<vmem>> -> memref<1x256xi32, #tpu.memory_space<vmem>>
    %dma_wait3A_46 = tpu.memref_squeeze %dma_wait3A_45 : memref<1x256xi32, #tpu.memory_space<vmem>> -> memref<256xi32, #tpu.memory_space<vmem>>
    %dma_wait3A_47 = arith.constant 0 : i32
    %dma_wait3A_48 = arith.constant 0 : i32
    %dma_wait3A_49 = tpu.memref_slice %arg11[%dma_wait3A_47, %dma_wait3A_48] : memref<10112x16xf32, #tpu.memory_space<vmem_shared>> -> memref<10112x16xf32, #tpu.memory_space<vmem_shared>>
    tpu.wait_indirect_dma semaphore(%arg13 : memref<!tpu.dma_semaphore, #tpu.memory_space<semaphore_mem>>) src(%dma_wait3A_49 : memref<10112x16xf32, #tpu.memory_space<vmem_shared>>) dst(%arg9 : memref<256x16xf32, #tpu.memory_space<vmem>>)
    %dma_start3A_50 = arith.constant 39 : i32
    %dma_start3A_51 = arith.constant 0 : i32
    %dma_start3A_52 = tpu.memref_slice %arg7[%dma_start3A_50, %dma_start3A_51] : memref<40x256xi32, #tpu.memory_space<vmem>> -> memref<1x256xi32, #tpu.memory_space<vmem>>
    %dma_start3A_53 = tpu.memref_squeeze %dma_start3A_52 : memref<1x256xi32, #tpu.memory_space<vmem>> -> memref<256xi32, #tpu.memory_space<vmem>>
    %dma_start3A_54 = arith.constant 0 : i32
    %dma_start3A_55 = arith.constant 0 : i32
    %dma_start3A_56 = tpu.memref_slice %arg10[%dma_start3A_54, %dma_start3A_55] : memref<10112x16xf32, #tpu.memory_space<vmem_shared>> -> memref<10112x16xf32, #tpu.memory_space<vmem_shared>>
    tpu.enqueue_indirect_dma source(%arg9 : memref<256x16xf32, #tpu.memory_space<vmem>>) target(%dma_start3A_56 : memref<10112x16xf32, #tpu.memory_space<vmem_shared>>) offsets(%dma_start3A_53 : memref<256xi32, #tpu.memory_space<vmem>>) semaphore(%arg15 : memref<!tpu.dma_semaphore, #tpu.memory_space<semaphore_mem>>) {add = true}
    %dma_wait3A_57 = arith.constant 38 : i32
    %dma_wait3A_58 = arith.constant 0 : i32
    %dma_wait3A_59 = tpu.memref_slice %arg7[%dma_wait3A_57, %dma_wait3A_58] : memref<40x256xi32, #tpu.memory_space<vmem>> -> memref<1x256xi32, #tpu.memory_space<vmem>>
    %dma_wait3A_60 = tpu.memref_squeeze %dma_wait3A_59 : memref<1x256xi32, #tpu.memory_space<vmem>> -> memref<256xi32, #tpu.memory_space<vmem>>
    %dma_wait3A_61 = arith.constant 0 : i32
    %dma_wait3A_62 = arith.constant 0 : i32
    %dma_wait3A_63 = tpu.memref_slice %arg10[%dma_wait3A_61, %dma_wait3A_62] : memref<10112x16xf32, #tpu.memory_space<vmem_shared>> -> memref<10112x16xf32, #tpu.memory_space<vmem_shared>>
    tpu.wait_indirect_dma semaphore(%arg14 : memref<!tpu.dma_semaphore, #tpu.memory_space<semaphore_mem>>) src(%arg8 : memref<256x16xf32, #tpu.memory_space<vmem>>) dst(%dma_wait3A_63 : memref<10112x16xf32, #tpu.memory_space<vmem_shared>>)
    %dma_wait3A_64 = arith.constant 39 : i32
    %dma_wait3A_65 = arith.constant 0 : i32
    %dma_wait3A_66 = tpu.memref_slice %arg7[%dma_wait3A_64, %dma_wait3A_65] : memref<40x256xi32, #tpu.memory_space<vmem>> -> memref<1x256xi32, #tpu.memory_space<vmem>>
    %dma_wait3A_67 = tpu.memref_squeeze %dma_wait3A_66 : memref<1x256xi32, #tpu.memory_space<vmem>> -> memref<256xi32, #tpu.memory_space<vmem>>
    %dma_wait3A_68 = arith.constant 0 : i32
    %dma_wait3A_69 = arith.constant 0 : i32
    %dma_wait3A_70 = tpu.memref_slice %arg10[%dma_wait3A_68, %dma_wait3A_69] : memref<10112x16xf32, #tpu.memory_space<vmem_shared>> -> memref<10112x16xf32, #tpu.memory_space<vmem_shared>>
    tpu.wait_indirect_dma semaphore(%arg15 : memref<!tpu.dma_semaphore, #tpu.memory_space<semaphore_mem>>) src(%arg9 : memref<256x16xf32, #tpu.memory_space<vmem>>) dst(%dma_wait3A_70 : memref<10112x16xf32, #tpu.memory_space<vmem_shared>>)
    %barrier3A_71 = arith.constant 0 : index
    tpu.barrier barrier_id(%barrier3A_71)
    "tpu.region"() ({
      %run_scoped3A = tpu.sem_alloc : memref<!tpu.dma_semaphore, #tpu.memory_space<semaphore_mem>>
      %dma_start3A_72 = arith.constant 0 : i32
      %dma_start3A_73 = tpu.memref_slice %arg5[%arg0, %mul3A_0, %dma_start3A_72] : memref<2x10112x16xf32, #tpu.memory_space<hbm>> -> memref<1x632x16xf32, #tpu.memory_space<hbm>>
      %dma_start3A_74 = tpu.memref_squeeze %dma_start3A_73 : memref<1x632x16xf32, #tpu.memory_space<hbm>> -> memref<632x16xf32, #tpu.memory_space<hbm>>
      %dma_start3A_75 = arith.constant 0 : i32
      %dma_start3A_76 = tpu.memref_slice %arg10[%mul3A_0, %dma_start3A_75] : memref<10112x16xf32, #tpu.memory_space<vmem_shared>> -> memref<632x16xf32, #tpu.memory_space<vmem_shared>>
      tpu.enqueue_dma source(%dma_start3A_76 : memref<632x16xf32, #tpu.memory_space<vmem_shared>>) target(%dma_start3A_74 : memref<632x16xf32, #tpu.memory_space<hbm>>) target_semaphore(%run_scoped3A : memref<!tpu.dma_semaphore, #tpu.memory_space<semaphore_mem>>)
      %dma_wait3A_77 = arith.constant 0 : i32
      %dma_wait3A_78 = tpu.memref_slice %arg5[%arg0, %mul3A_0, %dma_wait3A_77] : memref<2x10112x16xf32, #tpu.memory_space<hbm>> -> memref<1x632x16xf32, #tpu.memory_space<hbm>>
      %dma_wait3A_79 = tpu.memref_squeeze %dma_wait3A_78 : memref<1x632x16xf32, #tpu.memory_space<hbm>> -> memref<632x16xf32, #tpu.memory_space<hbm>>
      %dma_wait3A_80 = arith.constant 0 : i32
      %dma_wait3A_81 = tpu.memref_slice %arg10[%mul3A_0, %dma_wait3A_80] : memref<10112x16xf32, #tpu.memory_space<vmem_shared>> -> memref<632x16xf32, #tpu.memory_space<vmem_shared>>
      tpu.wait_dma2 semaphore(%run_scoped3A : memref<!tpu.dma_semaphore, #tpu.memory_space<semaphore_mem>>) src(%dma_wait3A_81 : memref<632x16xf32, #tpu.memory_space<vmem_shared>>) dst(%dma_wait3A_79 : memref<632x16xf32, #tpu.memory_space<hbm>>)
      tpu.yield
    }) : () -> ()
    return
  }
}

#map = affine_map<(d0, d1) -> (0)>
#map1 = affine_map<(d0, d1) -> (0, 0)>
module attributes {stable_mosaic.version = 14 : i64} {
  func.func @deg_kernel(%arg0: i32, %arg1: i32, %arg2: memref<10112xf32, #tpu.memory_space<hbm>>, %arg3: memref<640x512xi32, #tpu.memory_space<hbm>>, %arg4: memref<20224xf32, #tpu.memory_space<hbm>>, %arg5: memref<20x512xi32, #tpu.memory_space<vmem>>, %arg6: memref<512xf32, #tpu.memory_space<vmem>>, %arg7: memref<632xf32, #tpu.memory_space<vmem>>, %arg8: memref<10112xf32, #tpu.memory_space<vmem_shared>>, %arg9: memref<!tpu.dma_semaphore, #tpu.memory_space<semaphore_mem>>) attributes {dimension_semantics = [#tpu.dimension_semantics<core_parallel>, #tpu.dimension_semantics<subcore_parallel>], iteration_bounds = array<i64: 2, 16>, scalar_prefetch = 0 : i64, scratch_operands = 5 : i64, tpu.core_type = #tpu.core_type<sc_vector_subcore>, window_params = [{transform_indices = #map}, {transform_indices = #map1}, {transform_indices = #map}]} {
    %mul3A = arith.constant 632 : i32
    %mul3A_0 = arith.muli %arg1, %mul3A : i32
    %mul3A_1 = arith.constant 2 : i32
    %mul3A_2 = arith.muli %arg1, %mul3A_1 : i32
    %add3A = arith.addi %mul3A_2, %arg0 : i32
    %mul3A_3 = arith.constant 20 : i32
    %mul3A_4 = arith.muli %add3A, %mul3A_3 : i32
    "tpu.region"() ({
      %run_scoped3A = tpu.sem_alloc : memref<!tpu.dma_semaphore, #tpu.memory_space<semaphore_mem>>
      %dma_start3A = arith.constant 0 : i32
      %dma_start3A_210 = tpu.memref_slice %arg3[%mul3A_4, %dma_start3A] : memref<640x512xi32, #tpu.memory_space<hbm>> -> memref<20x512xi32, #tpu.memory_space<hbm>>
      %dma_start3A_211 = arith.constant 0 : i32
      %dma_start3A_212 = tpu.memref_slice %arg3[%mul3A_4, %dma_start3A_211] : memref<640x512xi32, #tpu.memory_space<hbm>> -> memref<20x512xi32, #tpu.memory_space<hbm>>
      tpu.enqueue_dma source(%dma_start3A_212 : memref<20x512xi32, #tpu.memory_space<hbm>>) target(%arg5 : memref<20x512xi32, #tpu.memory_space<vmem>>) target_semaphore(%run_scoped3A : memref<!tpu.dma_semaphore, #tpu.memory_space<semaphore_mem>>)
      %dma_wait3A = arith.constant 0 : i32
      %dma_wait3A_213 = tpu.memref_slice %arg3[%mul3A_4, %dma_wait3A] : memref<640x512xi32, #tpu.memory_space<hbm>> -> memref<20x512xi32, #tpu.memory_space<hbm>>
      %dma_wait3A_214 = arith.constant 0 : i32
      %dma_wait3A_215 = tpu.memref_slice %arg3[%mul3A_4, %dma_wait3A_214] : memref<640x512xi32, #tpu.memory_space<hbm>> -> memref<20x512xi32, #tpu.memory_space<hbm>>
      tpu.wait_dma2 semaphore(%run_scoped3A : memref<!tpu.dma_semaphore, #tpu.memory_space<semaphore_mem>>) src(%dma_wait3A_215 : memref<20x512xi32, #tpu.memory_space<hbm>>) dst(%arg5 : memref<20x512xi32, #tpu.memory_space<vmem>>)
      tpu.yield
    }) : () -> ()
    "tpu.region"() ({
      %run_scoped3A = tpu.sem_alloc : memref<!tpu.dma_semaphore, #tpu.memory_space<semaphore_mem>>
      %dma_start3A = tpu.memref_slice %arg2[%mul3A_0] : memref<10112xf32, #tpu.memory_space<hbm>> -> memref<632xf32, #tpu.memory_space<hbm>>
      %dma_start3A_210 = tpu.memref_slice %arg2[%mul3A_0] : memref<10112xf32, #tpu.memory_space<hbm>> -> memref<632xf32, #tpu.memory_space<hbm>>
      tpu.enqueue_dma source(%dma_start3A_210 : memref<632xf32, #tpu.memory_space<hbm>>) target(%arg7 : memref<632xf32, #tpu.memory_space<vmem>>) target_semaphore(%run_scoped3A : memref<!tpu.dma_semaphore, #tpu.memory_space<semaphore_mem>>)
      %dma_wait3A = tpu.memref_slice %arg2[%mul3A_0] : memref<10112xf32, #tpu.memory_space<hbm>> -> memref<632xf32, #tpu.memory_space<hbm>>
      %dma_wait3A_211 = tpu.memref_slice %arg2[%mul3A_0] : memref<10112xf32, #tpu.memory_space<hbm>> -> memref<632xf32, #tpu.memory_space<hbm>>
      tpu.wait_dma2 semaphore(%run_scoped3A : memref<!tpu.dma_semaphore, #tpu.memory_space<semaphore_mem>>) src(%dma_wait3A_211 : memref<632xf32, #tpu.memory_space<hbm>>) dst(%arg7 : memref<632xf32, #tpu.memory_space<vmem>>)
      tpu.yield
    }) : () -> ()
    "tpu.region"() ({
      %run_scoped3A = tpu.sem_alloc : memref<!tpu.dma_semaphore, #tpu.memory_space<semaphore_mem>>
      %dma_start3A = tpu.memref_slice %arg8[%mul3A_0] : memref<10112xf32, #tpu.memory_space<vmem_shared>> -> memref<632xf32, #tpu.memory_space<vmem_shared>>
      %dma_start3A_210 = tpu.memref_slice %arg8[%mul3A_0] : memref<10112xf32, #tpu.memory_space<vmem_shared>> -> memref<632xf32, #tpu.memory_space<vmem_shared>>
      tpu.enqueue_dma source(%arg7 : memref<632xf32, #tpu.memory_space<vmem>>) target(%dma_start3A_210 : memref<632xf32, #tpu.memory_space<vmem_shared>>) target_semaphore(%run_scoped3A : memref<!tpu.dma_semaphore, #tpu.memory_space<semaphore_mem>>)
      %dma_wait3A = tpu.memref_slice %arg8[%mul3A_0] : memref<10112xf32, #tpu.memory_space<vmem_shared>> -> memref<632xf32, #tpu.memory_space<vmem_shared>>
      %dma_wait3A_211 = tpu.memref_slice %arg8[%mul3A_0] : memref<10112xf32, #tpu.memory_space<vmem_shared>> -> memref<632xf32, #tpu.memory_space<vmem_shared>>
      tpu.wait_dma2 semaphore(%run_scoped3A : memref<!tpu.dma_semaphore, #tpu.memory_space<semaphore_mem>>) src(%arg7 : memref<632xf32, #tpu.memory_space<vmem>>) dst(%dma_wait3A_211 : memref<632xf32, #tpu.memory_space<vmem_shared>>)
      tpu.yield
    }) : () -> ()
    %broadcast_in_dim3A = arith.constant 1.000000e+00 : f32
    %broadcast_in_dim3A_5 = vector.broadcast %broadcast_in_dim3A : f32 to vector<16xf32>
    %swap3A = arith.constant 0 : index
    %swap3A_6 = tpu.vector_load %arg6[%swap3A] {strides = array<i32>} : memref<512xf32, #tpu.memory_space<vmem>>, vector<16xf32>,
    %swap3A_7 = vector.shape_cast %swap3A_6 : vector<16xf32> to vector<16xf32>
    %swap3A_8 = vector.shape_cast %broadcast_in_dim3A_5 : vector<16xf32> to vector<16xf32>
    tpu.vector_store %arg6[%swap3A], %swap3A_8 {strides = array<i32>} : memref<512xf32, #tpu.memory_space<vmem>>, vector<16xf32>,
    %broadcast_in_dim3A_9 = arith.constant 1.000000e+00 : f32
    %broadcast_in_dim3A_10 = vector.broadcast %broadcast_in_dim3A_9 : f32 to vector<16xf32>
    %swap3A_11 = arith.constant 16 : index
    %swap3A_12 = tpu.vector_load %arg6[%swap3A_11] {strides = array<i32>} : memref<512xf32, #tpu.memory_space<vmem>>, vector<16xf32>,
    %swap3A_13 = vector.shape_cast %swap3A_12 : vector<16xf32> to vector<16xf32>
    %swap3A_14 = vector.shape_cast %broadcast_in_dim3A_10 : vector<16xf32> to vector<16xf32>
    tpu.vector_store %arg6[%swap3A_11], %swap3A_14 {strides = array<i32>} : memref<512xf32, #tpu.memory_space<vmem>>, vector<16xf32>,
    %broadcast_in_dim3A_15 = arith.constant 1.000000e+00 : f32
    %broadcast_in_dim3A_16 = vector.broadcast %broadcast_in_dim3A_15 : f32 to vector<16xf32>
    %swap3A_17 = arith.constant 32 : index
    %swap3A_18 = tpu.vector_load %arg6[%swap3A_17] {strides = array<i32>} : memref<512xf32, #tpu.memory_space<vmem>>, vector<16xf32>,
    %swap3A_19 = vector.shape_cast %swap3A_18 : vector<16xf32> to vector<16xf32>
    %swap3A_20 = vector.shape_cast %broadcast_in_dim3A_16 : vector<16xf32> to vector<16xf32>
    tpu.vector_store %arg6[%swap3A_17], %swap3A_20 {strides = array<i32>} : memref<512xf32, #tpu.memory_space<vmem>>, vector<16xf32>,
    %broadcast_in_dim3A_21 = arith.constant 1.000000e+00 : f32
    %broadcast_in_dim3A_22 = vector.broadcast %broadcast_in_dim3A_21 : f32 to vector<16xf32>
    %swap3A_23 = arith.constant 48 : index
    %swap3A_24 = tpu.vector_load %arg6[%swap3A_23] {strides = array<i32>} : memref<512xf32, #tpu.memory_space<vmem>>, vector<16xf32>,
    %swap3A_25 = vector.shape_cast %swap3A_24 : vector<16xf32> to vector<16xf32>
    %swap3A_26 = vector.shape_cast %broadcast_in_dim3A_22 : vector<16xf32> to vector<16xf32>
    tpu.vector_store %arg6[%swap3A_23], %swap3A_26 {strides = array<i32>} : memref<512xf32, #tpu.memory_space<vmem>>, vector<16xf32>,
    %broadcast_in_dim3A_27 = arith.constant 1.000000e+00 : f32
    %broadcast_in_dim3A_28 = vector.broadcast %broadcast_in_dim3A_27 : f32 to vector<16xf32>
    %swap3A_29 = arith.constant 64 : index
    %swap3A_30 = tpu.vector_load %arg6[%swap3A_29] {strides = array<i32>} : memref<512xf32, #tpu.memory_space<vmem>>, vector<16xf32>,
    %swap3A_31 = vector.shape_cast %swap3A_30 : vector<16xf32> to vector<16xf32>
    %swap3A_32 = vector.shape_cast %broadcast_in_dim3A_28 : vector<16xf32> to vector<16xf32>
    tpu.vector_store %arg6[%swap3A_29], %swap3A_32 {strides = array<i32>} : memref<512xf32, #tpu.memory_space<vmem>>, vector<16xf32>,
    %broadcast_in_dim3A_33 = arith.constant 1.000000e+00 : f32
    %broadcast_in_dim3A_34 = vector.broadcast %broadcast_in_dim3A_33 : f32 to vector<16xf32>
    %swap3A_35 = arith.constant 80 : index
    %swap3A_36 = tpu.vector_load %arg6[%swap3A_35] {strides = array<i32>} : memref<512xf32, #tpu.memory_space<vmem>>, vector<16xf32>,
    %swap3A_37 = vector.shape_cast %swap3A_36 : vector<16xf32> to vector<16xf32>
    %swap3A_38 = vector.shape_cast %broadcast_in_dim3A_34 : vector<16xf32> to vector<16xf32>
    tpu.vector_store %arg6[%swap3A_35], %swap3A_38 {strides = array<i32>} : memref<512xf32, #tpu.memory_space<vmem>>, vector<16xf32>,
    %broadcast_in_dim3A_39 = arith.constant 1.000000e+00 : f32
    %broadcast_in_dim3A_40 = vector.broadcast %broadcast_in_dim3A_39 : f32 to vector<16xf32>
    %swap3A_41 = arith.constant 96 : index
    %swap3A_42 = tpu.vector_load %arg6[%swap3A_41] {strides = array<i32>} : memref<512xf32, #tpu.memory_space<vmem>>, vector<16xf32>,
    %swap3A_43 = vector.shape_cast %swap3A_42 : vector<16xf32> to vector<16xf32>
    %swap3A_44 = vector.shape_cast %broadcast_in_dim3A_40 : vector<16xf32> to vector<16xf32>
    tpu.vector_store %arg6[%swap3A_41], %swap3A_44 {strides = array<i32>} : memref<512xf32, #tpu.memory_space<vmem>>, vector<16xf32>,
    %broadcast_in_dim3A_45 = arith.constant 1.000000e+00 : f32
    %broadcast_in_dim3A_46 = vector.broadcast %broadcast_in_dim3A_45 : f32 to vector<16xf32>
    %swap3A_47 = arith.constant 112 : index
    %swap3A_48 = tpu.vector_load %arg6[%swap3A_47] {strides = array<i32>} : memref<512xf32, #tpu.memory_space<vmem>>, vector<16xf32>,
    %swap3A_49 = vector.shape_cast %swap3A_48 : vector<16xf32> to vector<16xf32>
    %swap3A_50 = vector.shape_cast %broadcast_in_dim3A_46 : vector<16xf32> to vector<16xf32>
    tpu.vector_store %arg6[%swap3A_47], %swap3A_50 {strides = array<i32>} : memref<512xf32, #tpu.memory_space<vmem>>, vector<16xf32>,
    %broadcast_in_dim3A_51 = arith.constant 1.000000e+00 : f32
    %broadcast_in_dim3A_52 = vector.broadcast %broadcast_in_dim3A_51 : f32 to vector<16xf32>
    %swap3A_53 = arith.constant 128 : index
    %swap3A_54 = tpu.vector_load %arg6[%swap3A_53] {strides = array<i32>} : memref<512xf32, #tpu.memory_space<vmem>>, vector<16xf32>,
    %swap3A_55 = vector.shape_cast %swap3A_54 : vector<16xf32> to vector<16xf32>
    %swap3A_56 = vector.shape_cast %broadcast_in_dim3A_52 : vector<16xf32> to vector<16xf32>
    tpu.vector_store %arg6[%swap3A_53], %swap3A_56 {strides = array<i32>} : memref<512xf32, #tpu.memory_space<vmem>>, vector<16xf32>,
    %broadcast_in_dim3A_57 = arith.constant 1.000000e+00 : f32
    %broadcast_in_dim3A_58 = vector.broadcast %broadcast_in_dim3A_57 : f32 to vector<16xf32>
    %swap3A_59 = arith.constant 144 : index
    %swap3A_60 = tpu.vector_load %arg6[%swap3A_59] {strides = array<i32>} : memref<512xf32, #tpu.memory_space<vmem>>, vector<16xf32>,
    %swap3A_61 = vector.shape_cast %swap3A_60 : vector<16xf32> to vector<16xf32>
    %swap3A_62 = vector.shape_cast %broadcast_in_dim3A_58 : vector<16xf32> to vector<16xf32>
    tpu.vector_store %arg6[%swap3A_59], %swap3A_62 {strides = array<i32>} : memref<512xf32, #tpu.memory_space<vmem>>, vector<16xf32>,
    %broadcast_in_dim3A_63 = arith.constant 1.000000e+00 : f32
    %broadcast_in_dim3A_64 = vector.broadcast %broadcast_in_dim3A_63 : f32 to vector<16xf32>
    %swap3A_65 = arith.constant 160 : index
    %swap3A_66 = tpu.vector_load %arg6[%swap3A_65] {strides = array<i32>} : memref<512xf32, #tpu.memory_space<vmem>>, vector<16xf32>,
    %swap3A_67 = vector.shape_cast %swap3A_66 : vector<16xf32> to vector<16xf32>
    %swap3A_68 = vector.shape_cast %broadcast_in_dim3A_64 : vector<16xf32> to vector<16xf32>
    tpu.vector_store %arg6[%swap3A_65], %swap3A_68 {strides = array<i32>} : memref<512xf32, #tpu.memory_space<vmem>>, vector<16xf32>,
    %broadcast_in_dim3A_69 = arith.constant 1.000000e+00 : f32
    %broadcast_in_dim3A_70 = vector.broadcast %broadcast_in_dim3A_69 : f32 to vector<16xf32>
    %swap3A_71 = arith.constant 176 : index
    %swap3A_72 = tpu.vector_load %arg6[%swap3A_71] {strides = array<i32>} : memref<512xf32, #tpu.memory_space<vmem>>, vector<16xf32>,
    %swap3A_73 = vector.shape_cast %swap3A_72 : vector<16xf32> to vector<16xf32>
    %swap3A_74 = vector.shape_cast %broadcast_in_dim3A_70 : vector<16xf32> to vector<16xf32>
    tpu.vector_store %arg6[%swap3A_71], %swap3A_74 {strides = array<i32>} : memref<512xf32, #tpu.memory_space<vmem>>, vector<16xf32>,
    %broadcast_in_dim3A_75 = arith.constant 1.000000e+00 : f32
    %broadcast_in_dim3A_76 = vector.broadcast %broadcast_in_dim3A_75 : f32 to vector<16xf32>
    %swap3A_77 = arith.constant 192 : index
    %swap3A_78 = tpu.vector_load %arg6[%swap3A_77] {strides = array<i32>} : memref<512xf32, #tpu.memory_space<vmem>>, vector<16xf32>,
    %swap3A_79 = vector.shape_cast %swap3A_78 : vector<16xf32> to vector<16xf32>
    %swap3A_80 = vector.shape_cast %broadcast_in_dim3A_76 : vector<16xf32> to vector<16xf32>
    tpu.vector_store %arg6[%swap3A_77], %swap3A_80 {strides = array<i32>} : memref<512xf32, #tpu.memory_space<vmem>>, vector<16xf32>,
    %broadcast_in_dim3A_81 = arith.constant 1.000000e+00 : f32
    %broadcast_in_dim3A_82 = vector.broadcast %broadcast_in_dim3A_81 : f32 to vector<16xf32>
    %swap3A_83 = arith.constant 208 : index
    %swap3A_84 = tpu.vector_load %arg6[%swap3A_83] {strides = array<i32>} : memref<512xf32, #tpu.memory_space<vmem>>, vector<16xf32>,
    %swap3A_85 = vector.shape_cast %swap3A_84 : vector<16xf32> to vector<16xf32>
    %swap3A_86 = vector.shape_cast %broadcast_in_dim3A_82 : vector<16xf32> to vector<16xf32>
    tpu.vector_store %arg6[%swap3A_83], %swap3A_86 {strides = array<i32>} : memref<512xf32, #tpu.memory_space<vmem>>, vector<16xf32>,
    %broadcast_in_dim3A_87 = arith.constant 1.000000e+00 : f32
    %broadcast_in_dim3A_88 = vector.broadcast %broadcast_in_dim3A_87 : f32 to vector<16xf32>
    %swap3A_89 = arith.constant 224 : index
    %swap3A_90 = tpu.vector_load %arg6[%swap3A_89] {strides = array<i32>} : memref<512xf32, #tpu.memory_space<vmem>>, vector<16xf32>,
    %swap3A_91 = vector.shape_cast %swap3A_90 : vector<16xf32> to vector<16xf32>
    %swap3A_92 = vector.shape_cast %broadcast_in_dim3A_88 : vector<16xf32> to vector<16xf32>
    tpu.vector_store %arg6[%swap3A_89], %swap3A_92 {strides = array<i32>} : memref<512xf32, #tpu.memory_space<vmem>>, vector<16xf32>,
    %broadcast_in_dim3A_93 = arith.constant 1.000000e+00 : f32
    %broadcast_in_dim3A_94 = vector.broadcast %broadcast_in_dim3A_93 : f32 to vector<16xf32>
    %swap3A_95 = arith.constant 240 : index
    %swap3A_96 = tpu.vector_load %arg6[%swap3A_95] {strides = array<i32>} : memref<512xf32, #tpu.memory_space<vmem>>, vector<16xf32>,
    %swap3A_97 = vector.shape_cast %swap3A_96 : vector<16xf32> to vector<16xf32>
    %swap3A_98 = vector.shape_cast %broadcast_in_dim3A_94 : vector<16xf32> to vector<16xf32>
    tpu.vector_store %arg6[%swap3A_95], %swap3A_98 {strides = array<i32>} : memref<512xf32, #tpu.memory_space<vmem>>, vector<16xf32>,
    %broadcast_in_dim3A_99 = arith.constant 1.000000e+00 : f32
    %broadcast_in_dim3A_100 = vector.broadcast %broadcast_in_dim3A_99 : f32 to vector<16xf32>
    %swap3A_101 = arith.constant 256 : index
    %swap3A_102 = tpu.vector_load %arg6[%swap3A_101] {strides = array<i32>} : memref<512xf32, #tpu.memory_space<vmem>>, vector<16xf32>,
    %swap3A_103 = vector.shape_cast %swap3A_102 : vector<16xf32> to vector<16xf32>
    %swap3A_104 = vector.shape_cast %broadcast_in_dim3A_100 : vector<16xf32> to vector<16xf32>
    tpu.vector_store %arg6[%swap3A_101], %swap3A_104 {strides = array<i32>} : memref<512xf32, #tpu.memory_space<vmem>>, vector<16xf32>,
    %broadcast_in_dim3A_105 = arith.constant 1.000000e+00 : f32
    %broadcast_in_dim3A_106 = vector.broadcast %broadcast_in_dim3A_105 : f32 to vector<16xf32>
    %swap3A_107 = arith.constant 272 : index
    %swap3A_108 = tpu.vector_load %arg6[%swap3A_107] {strides = array<i32>} : memref<512xf32, #tpu.memory_space<vmem>>, vector<16xf32>,
    %swap3A_109 = vector.shape_cast %swap3A_108 : vector<16xf32> to vector<16xf32>
    %swap3A_110 = vector.shape_cast %broadcast_in_dim3A_106 : vector<16xf32> to vector<16xf32>
    tpu.vector_store %arg6[%swap3A_107], %swap3A_110 {strides = array<i32>} : memref<512xf32, #tpu.memory_space<vmem>>, vector<16xf32>,
    %broadcast_in_dim3A_111 = arith.constant 1.000000e+00 : f32
    %broadcast_in_dim3A_112 = vector.broadcast %broadcast_in_dim3A_111 : f32 to vector<16xf32>
    %swap3A_113 = arith.constant 288 : index
    %swap3A_114 = tpu.vector_load %arg6[%swap3A_113] {strides = array<i32>} : memref<512xf32, #tpu.memory_space<vmem>>, vector<16xf32>,
    %swap3A_115 = vector.shape_cast %swap3A_114 : vector<16xf32> to vector<16xf32>
    %swap3A_116 = vector.shape_cast %broadcast_in_dim3A_112 : vector<16xf32> to vector<16xf32>
    tpu.vector_store %arg6[%swap3A_113], %swap3A_116 {strides = array<i32>} : memref<512xf32, #tpu.memory_space<vmem>>, vector<16xf32>,
    %broadcast_in_dim3A_117 = arith.constant 1.000000e+00 : f32
    %broadcast_in_dim3A_118 = vector.broadcast %broadcast_in_dim3A_117 : f32 to vector<16xf32>
    %swap3A_119 = arith.constant 304 : index
    %swap3A_120 = tpu.vector_load %arg6[%swap3A_119] {strides = array<i32>} : memref<512xf32, #tpu.memory_space<vmem>>, vector<16xf32>,
    %swap3A_121 = vector.shape_cast %swap3A_120 : vector<16xf32> to vector<16xf32>
    %swap3A_122 = vector.shape_cast %broadcast_in_dim3A_118 : vector<16xf32> to vector<16xf32>
    tpu.vector_store %arg6[%swap3A_119], %swap3A_122 {strides = array<i32>} : memref<512xf32, #tpu.memory_space<vmem>>, vector<16xf32>,
    %broadcast_in_dim3A_123 = arith.constant 1.000000e+00 : f32
    %broadcast_in_dim3A_124 = vector.broadcast %broadcast_in_dim3A_123 : f32 to vector<16xf32>
    %swap3A_125 = arith.constant 320 : index
    %swap3A_126 = tpu.vector_load %arg6[%swap3A_125] {strides = array<i32>} : memref<512xf32, #tpu.memory_space<vmem>>, vector<16xf32>,
    %swap3A_127 = vector.shape_cast %swap3A_126 : vector<16xf32> to vector<16xf32>
    %swap3A_128 = vector.shape_cast %broadcast_in_dim3A_124 : vector<16xf32> to vector<16xf32>
    tpu.vector_store %arg6[%swap3A_125], %swap3A_128 {strides = array<i32>} : memref<512xf32, #tpu.memory_space<vmem>>, vector<16xf32>,
    %broadcast_in_dim3A_129 = arith.constant 1.000000e+00 : f32
    %broadcast_in_dim3A_130 = vector.broadcast %broadcast_in_dim3A_129 : f32 to vector<16xf32>
    %swap3A_131 = arith.constant 336 : index
    %swap3A_132 = tpu.vector_load %arg6[%swap3A_131] {strides = array<i32>} : memref<512xf32, #tpu.memory_space<vmem>>, vector<16xf32>,
    %swap3A_133 = vector.shape_cast %swap3A_132 : vector<16xf32> to vector<16xf32>
    %swap3A_134 = vector.shape_cast %broadcast_in_dim3A_130 : vector<16xf32> to vector<16xf32>
    tpu.vector_store %arg6[%swap3A_131], %swap3A_134 {strides = array<i32>} : memref<512xf32, #tpu.memory_space<vmem>>, vector<16xf32>,
    %broadcast_in_dim3A_135 = arith.constant 1.000000e+00 : f32
    %broadcast_in_dim3A_136 = vector.broadcast %broadcast_in_dim3A_135 : f32 to vector<16xf32>
    %swap3A_137 = arith.constant 352 : index
    %swap3A_138 = tpu.vector_load %arg6[%swap3A_137] {strides = array<i32>} : memref<512xf32, #tpu.memory_space<vmem>>, vector<16xf32>,
    %swap3A_139 = vector.shape_cast %swap3A_138 : vector<16xf32> to vector<16xf32>
    %swap3A_140 = vector.shape_cast %broadcast_in_dim3A_136 : vector<16xf32> to vector<16xf32>
    tpu.vector_store %arg6[%swap3A_137], %swap3A_140 {strides = array<i32>} : memref<512xf32, #tpu.memory_space<vmem>>, vector<16xf32>,
    %broadcast_in_dim3A_141 = arith.constant 1.000000e+00 : f32
    %broadcast_in_dim3A_142 = vector.broadcast %broadcast_in_dim3A_141 : f32 to vector<16xf32>
    %swap3A_143 = arith.constant 368 : index
    %swap3A_144 = tpu.vector_load %arg6[%swap3A_143] {strides = array<i32>} : memref<512xf32, #tpu.memory_space<vmem>>, vector<16xf32>,
    %swap3A_145 = vector.shape_cast %swap3A_144 : vector<16xf32> to vector<16xf32>
    %swap3A_146 = vector.shape_cast %broadcast_in_dim3A_142 : vector<16xf32> to vector<16xf32>
    tpu.vector_store %arg6[%swap3A_143], %swap3A_146 {strides = array<i32>} : memref<512xf32, #tpu.memory_space<vmem>>, vector<16xf32>,
    %broadcast_in_dim3A_147 = arith.constant 1.000000e+00 : f32
    %broadcast_in_dim3A_148 = vector.broadcast %broadcast_in_dim3A_147 : f32 to vector<16xf32>
    %swap3A_149 = arith.constant 384 : index
    %swap3A_150 = tpu.vector_load %arg6[%swap3A_149] {strides = array<i32>} : memref<512xf32, #tpu.memory_space<vmem>>, vector<16xf32>,
    %swap3A_151 = vector.shape_cast %swap3A_150 : vector<16xf32> to vector<16xf32>
    %swap3A_152 = vector.shape_cast %broadcast_in_dim3A_148 : vector<16xf32> to vector<16xf32>
    tpu.vector_store %arg6[%swap3A_149], %swap3A_152 {strides = array<i32>} : memref<512xf32, #tpu.memory_space<vmem>>, vector<16xf32>,
    %broadcast_in_dim3A_153 = arith.constant 1.000000e+00 : f32
    %broadcast_in_dim3A_154 = vector.broadcast %broadcast_in_dim3A_153 : f32 to vector<16xf32>
    %swap3A_155 = arith.constant 400 : index
    %swap3A_156 = tpu.vector_load %arg6[%swap3A_155] {strides = array<i32>} : memref<512xf32, #tpu.memory_space<vmem>>, vector<16xf32>,
    %swap3A_157 = vector.shape_cast %swap3A_156 : vector<16xf32> to vector<16xf32>
    %swap3A_158 = vector.shape_cast %broadcast_in_dim3A_154 : vector<16xf32> to vector<16xf32>
    tpu.vector_store %arg6[%swap3A_155], %swap3A_158 {strides = array<i32>} : memref<512xf32, #tpu.memory_space<vmem>>, vector<16xf32>,
    %broadcast_in_dim3A_159 = arith.constant 1.000000e+00 : f32
    %broadcast_in_dim3A_160 = vector.broadcast %broadcast_in_dim3A_159 : f32 to vector<16xf32>
    %swap3A_161 = arith.constant 416 : index
    %swap3A_162 = tpu.vector_load %arg6[%swap3A_161] {strides = array<i32>} : memref<512xf32, #tpu.memory_space<vmem>>, vector<16xf32>,
    %swap3A_163 = vector.shape_cast %swap3A_162 : vector<16xf32> to vector<16xf32>
    %swap3A_164 = vector.shape_cast %broadcast_in_dim3A_160 : vector<16xf32> to vector<16xf32>
    tpu.vector_store %arg6[%swap3A_161], %swap3A_164 {strides = array<i32>} : memref<512xf32, #tpu.memory_space<vmem>>, vector<16xf32>,
    %broadcast_in_dim3A_165 = arith.constant 1.000000e+00 : f32
    %broadcast_in_dim3A_166 = vector.broadcast %broadcast_in_dim3A_165 : f32 to vector<16xf32>
    %swap3A_167 = arith.constant 432 : index
    %swap3A_168 = tpu.vector_load %arg6[%swap3A_167] {strides = array<i32>} : memref<512xf32, #tpu.memory_space<vmem>>, vector<16xf32>,
    %swap3A_169 = vector.shape_cast %swap3A_168 : vector<16xf32> to vector<16xf32>
    %swap3A_170 = vector.shape_cast %broadcast_in_dim3A_166 : vector<16xf32> to vector<16xf32>
    tpu.vector_store %arg6[%swap3A_167], %swap3A_170 {strides = array<i32>} : memref<512xf32, #tpu.memory_space<vmem>>, vector<16xf32>,
    %broadcast_in_dim3A_171 = arith.constant 1.000000e+00 : f32
    %broadcast_in_dim3A_172 = vector.broadcast %broadcast_in_dim3A_171 : f32 to vector<16xf32>
    %swap3A_173 = arith.constant 448 : index
    %swap3A_174 = tpu.vector_load %arg6[%swap3A_173] {strides = array<i32>} : memref<512xf32, #tpu.memory_space<vmem>>, vector<16xf32>,
    %swap3A_175 = vector.shape_cast %swap3A_174 : vector<16xf32> to vector<16xf32>
    %swap3A_176 = vector.shape_cast %broadcast_in_dim3A_172 : vector<16xf32> to vector<16xf32>
    tpu.vector_store %arg6[%swap3A_173], %swap3A_176 {strides = array<i32>} : memref<512xf32, #tpu.memory_space<vmem>>, vector<16xf32>,
    %broadcast_in_dim3A_177 = arith.constant 1.000000e+00 : f32
    %broadcast_in_dim3A_178 = vector.broadcast %broadcast_in_dim3A_177 : f32 to vector<16xf32>
    %swap3A_179 = arith.constant 464 : index
    %swap3A_180 = tpu.vector_load %arg6[%swap3A_179] {strides = array<i32>} : memref<512xf32, #tpu.memory_space<vmem>>, vector<16xf32>,
    %swap3A_181 = vector.shape_cast %swap3A_180 : vector<16xf32> to vector<16xf32>
    %swap3A_182 = vector.shape_cast %broadcast_in_dim3A_178 : vector<16xf32> to vector<16xf32>
    tpu.vector_store %arg6[%swap3A_179], %swap3A_182 {strides = array<i32>} : memref<512xf32, #tpu.memory_space<vmem>>, vector<16xf32>,
    %broadcast_in_dim3A_183 = arith.constant 1.000000e+00 : f32
    %broadcast_in_dim3A_184 = vector.broadcast %broadcast_in_dim3A_183 : f32 to vector<16xf32>
    %swap3A_185 = arith.constant 480 : index
    %swap3A_186 = tpu.vector_load %arg6[%swap3A_185] {strides = array<i32>} : memref<512xf32, #tpu.memory_space<vmem>>, vector<16xf32>,
    %swap3A_187 = vector.shape_cast %swap3A_186 : vector<16xf32> to vector<16xf32>
    %swap3A_188 = vector.shape_cast %broadcast_in_dim3A_184 : vector<16xf32> to vector<16xf32>
    tpu.vector_store %arg6[%swap3A_185], %swap3A_188 {strides = array<i32>} : memref<512xf32, #tpu.memory_space<vmem>>, vector<16xf32>,
    %broadcast_in_dim3A_189 = arith.constant 1.000000e+00 : f32
    %broadcast_in_dim3A_190 = vector.broadcast %broadcast_in_dim3A_189 : f32 to vector<16xf32>
    %swap3A_191 = arith.constant 496 : index
    %swap3A_192 = tpu.vector_load %arg6[%swap3A_191] {strides = array<i32>} : memref<512xf32, #tpu.memory_space<vmem>>, vector<16xf32>,
    %swap3A_193 = vector.shape_cast %swap3A_192 : vector<16xf32> to vector<16xf32>
    %swap3A_194 = vector.shape_cast %broadcast_in_dim3A_190 : vector<16xf32> to vector<16xf32>
    tpu.vector_store %arg6[%swap3A_191], %swap3A_194 {strides = array<i32>} : memref<512xf32, #tpu.memory_space<vmem>>, vector<16xf32>,
    %barrier3A = arith.constant 0 : index
    tpu.barrier barrier_id(%barrier3A)
    %scan3A = arith.constant 0 : i32
    %scan3A_195 = arith.constant 0 : i32
    %scan3A_196 = arith.constant 20 : i32
    %scan3A_197 = arith.addi %scan3A_195, %scan3A_196 : i32
    %scan3A_198 = arith.constant 1 : i32
    scf.for %scan3A_210 = %scan3A_195 to %scan3A_197 step %scan3A_198  : i32 {
      %dma_start3A = arith.constant 0 : i32
      %dma_start3A_211 = tpu.memref_slice %arg5[%scan3A_210, %dma_start3A] : memref<20x512xi32, #tpu.memory_space<vmem>> -> memref<1x512xi32, #tpu.memory_space<vmem>>
      %dma_start3A_212 = tpu.memref_squeeze %dma_start3A_211 : memref<1x512xi32, #tpu.memory_space<vmem>> -> memref<512xi32, #tpu.memory_space<vmem>>
      %dma_start3A_213 = arith.constant 0 : i32
      %dma_start3A_214 = tpu.memref_slice %arg8[%dma_start3A_213] : memref<10112xf32, #tpu.memory_space<vmem_shared>> -> memref<10112xf32, #tpu.memory_space<vmem_shared>>
      tpu.enqueue_indirect_dma source(%arg6 : memref<512xf32, #tpu.memory_space<vmem>>) target(%dma_start3A_214 : memref<10112xf32, #tpu.memory_space<vmem_shared>>) offsets(%dma_start3A_212 : memref<512xi32, #tpu.memory_space<vmem>>) semaphore(%arg9 : memref<!tpu.dma_semaphore, #tpu.memory_space<semaphore_mem>>) {add = true}
    }
    %scan3A_199 = arith.constant 20 : i32
    %scan3A_200 = arith.constant 0 : i32
    %scan3A_201 = arith.constant 0 : i32
    %scan3A_202 = arith.constant 20 : i32
    %scan3A_203 = arith.addi %scan3A_201, %scan3A_202 : i32
    %scan3A_204 = arith.constant 1 : i32
    scf.for %scan3A_210 = %scan3A_201 to %scan3A_203 step %scan3A_204  : i32 {
      %dma_wait3A = arith.constant 0 : i32
      %dma_wait3A_211 = arith.constant 0 : i32
      %dma_wait3A_212 = tpu.memref_slice %arg5[%dma_wait3A, %dma_wait3A_211] : memref<20x512xi32, #tpu.memory_space<vmem>> -> memref<1x512xi32, #tpu.memory_space<vmem>>
      %dma_wait3A_213 = tpu.memref_squeeze %dma_wait3A_212 : memref<1x512xi32, #tpu.memory_space<vmem>> -> memref<512xi32, #tpu.memory_space<vmem>>
      %dma_wait3A_214 = arith.constant 0 : i32
      %dma_wait3A_215 = tpu.memref_slice %arg8[%dma_wait3A_214] : memref<10112xf32, #tpu.memory_space<vmem_shared>> -> memref<10112xf32, #tpu.memory_space<vmem_shared>>
      tpu.wait_indirect_dma semaphore(%arg9 : memref<!tpu.dma_semaphore, #tpu.memory_space<semaphore_mem>>) src(%arg6 : memref<512xf32, #tpu.memory_space<vmem>>) dst(%dma_wait3A_215 : memref<10112xf32, #tpu.memory_space<vmem_shared>>)
    }
    %scan3A_205 = arith.constant 20 : i32
    %barrier3A_206 = arith.constant 0 : index
    tpu.barrier barrier_id(%barrier3A_206)
    "tpu.region"() ({
      %run_scoped3A = tpu.sem_alloc : memref<!tpu.dma_semaphore, #tpu.memory_space<semaphore_mem>>
      %dma_start3A = tpu.memref_slice %arg8[%mul3A_0] : memref<10112xf32, #tpu.memory_space<vmem_shared>> -> memref<632xf32, #tpu.memory_space<vmem_shared>>
      %dma_start3A_210 = tpu.memref_slice %arg8[%mul3A_0] : memref<10112xf32, #tpu.memory_space<vmem_shared>> -> memref<632xf32, #tpu.memory_space<vmem_shared>>
      tpu.enqueue_dma source(%dma_start3A_210 : memref<632xf32, #tpu.memory_space<vmem_shared>>) target(%arg7 : memref<632xf32, #tpu.memory_space<vmem>>) target_semaphore(%run_scoped3A : memref<!tpu.dma_semaphore, #tpu.memory_space<semaphore_mem>>)
      %dma_wait3A = tpu.memref_slice %arg8[%mul3A_0] : memref<10112xf32, #tpu.memory_space<vmem_shared>> -> memref<632xf32, #tpu.memory_space<vmem_shared>>
      %dma_wait3A_211 = tpu.memref_slice %arg8[%mul3A_0] : memref<10112xf32, #tpu.memory_space<vmem_shared>> -> memref<632xf32, #tpu.memory_space<vmem_shared>>
      tpu.wait_dma2 semaphore(%run_scoped3A : memref<!tpu.dma_semaphore, #tpu.memory_space<semaphore_mem>>) src(%dma_wait3A_211 : memref<632xf32, #tpu.memory_space<vmem_shared>>) dst(%arg7 : memref<632xf32, #tpu.memory_space<vmem>>)
      tpu.yield
    }) : () -> ()
    %mul3A_207 = arith.constant 10112 : i32
    %mul3A_208 = arith.muli %arg0, %mul3A_207 : i32
    %add3A_209 = arith.addi %mul3A_208, %mul3A_0 : i32
    "tpu.region"() ({
      %run_scoped3A = tpu.sem_alloc : memref<!tpu.dma_semaphore, #tpu.memory_space<semaphore_mem>>
      %dma_start3A = tpu.memref_slice %arg4[%add3A_209] : memref<20224xf32, #tpu.memory_space<hbm>> -> memref<632xf32, #tpu.memory_space<hbm>>
      %dma_start3A_210 = tpu.memref_slice %arg4[%add3A_209] : memref<20224xf32, #tpu.memory_space<hbm>> -> memref<632xf32, #tpu.memory_space<hbm>>
      tpu.enqueue_dma source(%arg7 : memref<632xf32, #tpu.memory_space<vmem>>) target(%dma_start3A_210 : memref<632xf32, #tpu.memory_space<hbm>>) target_semaphore(%run_scoped3A : memref<!tpu.dma_semaphore, #tpu.memory_space<semaphore_mem>>)
      %dma_wait3A = tpu.memref_slice %arg4[%add3A_209] : memref<20224xf32, #tpu.memory_space<hbm>> -> memref<632xf32, #tpu.memory_space<hbm>>
      %dma_wait3A_211 = tpu.memref_slice %arg4[%add3A_209] : memref<20224xf32, #tpu.memory_space<hbm>> -> memref<632xf32, #tpu.memory_space<hbm>>
      tpu.wait_dma2 semaphore(%run_scoped3A : memref<!tpu.dma_semaphore, #tpu.memory_space<semaphore_mem>>) src(%arg7 : memref<632xf32, #tpu.memory_space<vmem>>) dst(%dma_wait3A_211 : memref<632xf32, #tpu.memory_space<hbm>>)
      tpu.yield
    }) : () -> ()
    return
  }
}

module attributes {stable_mosaic.version = 14 : i64} {
  func.func @_k0_body(%arg0: memref<10112x128xf32, #tpu.memory_space<vmem>>, %arg1: memref<128x64xf32, #tpu.memory_space<vmem>>, %arg2: memref<10112x64xf32, #tpu.memory_space<vmem>>) attributes {dimension_semantics = [], scalar_prefetch = 0 : i64, scratch_operands = 0 : i64, tpu.core_type = #tpu.core_type<tc>} {
    %get3A = arith.constant 0 : index
    %get3A_0 = arith.constant 0 : index
    %get3A_1 = vector.load %arg0[%get3A, %get3A_0] : memref<10112x128xf32, #tpu.memory_space<vmem>>, vector<10112x128xf32>
    %get3A_2 = arith.constant 0 : index
    %get3A_3 = arith.constant 0 : index
    %get3A_4 = vector.load %arg1[%get3A_2, %get3A_3] : memref<128x64xf32, #tpu.memory_space<vmem>>, vector<128x64xf32>
    %dot_general3A = arith.constant dense<0.000000e+00> : vector<10112x64xf32>
    %dot_general3A_5 = tpu.matmul %get3A_1, %get3A_4, %dot_general3A {dimension_numbers = #tpu.dot_dimension_numbers<[1], [0], [0], [1], [0, 0, 1, 1], [], []>, transpose_lhs_hint = false} : vector<10112x128xf32>, vector<128x64xf32>, vector<10112x64xf32> -> vector<10112x64xf32>
    %swap3A = arith.constant 0 : index
    %swap3A_6 = arith.constant 0 : index
    %swap3A_7 = vector.load %arg2[%swap3A, %swap3A_6] : memref<10112x64xf32, #tpu.memory_space<vmem>>, vector<10112x64xf32>
    tpu.vector_store %arg2[%swap3A, %swap3A_6], %dot_general3A_5 {strides = array<i32>} : memref<10112x64xf32, #tpu.memory_space<vmem>>, vector<10112x64xf32>,
    return
  }
}

module attributes {stable_mosaic.version = 14 : i64} {
  func.func @_k1_body(%arg0: memref<2x10112x1xf32, #tpu.memory_space<vmem>>, %arg1: memref<10112x64xf32, #tpu.memory_space<vmem>>, %arg2: memref<10112x64xf32, #tpu.memory_space<vmem>>, %arg3: memref<10112x1xf32, #tpu.memory_space<vmem>>) attributes {dimension_semantics = [], scalar_prefetch = 0 : i64, scratch_operands = 0 : i64, tpu.core_type = #tpu.core_type<tc>} {
    %get3A = arith.constant 0 : index
    %get3A_0 = arith.constant 0 : index
    %get3A_1 = arith.constant 0 : index
    %get3A_2 = vector.load %arg0[%get3A, %get3A_0, %get3A_1] : memref<2x10112x1xf32, #tpu.memory_space<vmem>>, vector<1x10112x1xf32>
    %get3A_3 = vector.shape_cast %get3A_2 : vector<1x10112x1xf32> to vector<10112x1xf32>
    %get3A_4 = arith.constant 1 : index
    %get3A_5 = arith.constant 0 : index
    %get3A_6 = arith.constant 0 : index
    %get3A_7 = vector.load %arg0[%get3A_4, %get3A_5, %get3A_6] : memref<2x10112x1xf32, #tpu.memory_space<vmem>>, vector<1x10112x1xf32>
    %get3A_8 = vector.shape_cast %get3A_7 : vector<1x10112x1xf32> to vector<10112x1xf32>
    %add3A = arith.addf %get3A_3, %get3A_8 : vector<10112x1xf32>
    %add3A_9 = arith.constant 1.000000e+00 : f32
    %add3A_10 = vector.broadcast %add3A_9 : f32 to vector<10112x1xf32>
    %add3A_11 = arith.addf %add3A, %add3A_10 : vector<10112x1xf32>
    %rsqrt3A = math.rsqrt %add3A_11 : vector<10112x1xf32>
    %get3A_12 = arith.constant 0 : index
    %get3A_13 = arith.constant 0 : index
    %get3A_14 = vector.load %arg1[%get3A_12, %get3A_13] : memref<10112x64xf32, #tpu.memory_space<vmem>>, vector<10112x64xf32>
    %mul3A = vector.broadcast %rsqrt3A : vector<10112x1xf32> to vector<10112x64xf32>
    %mul3A_15 = arith.mulf %get3A_14, %mul3A : vector<10112x64xf32>
    %swap3A = arith.constant 0 : index
    %swap3A_16 = arith.constant 0 : index
    %swap3A_17 = vector.load %arg2[%swap3A, %swap3A_16] : memref<10112x64xf32, #tpu.memory_space<vmem>>, vector<10112x64xf32>
    tpu.vector_store %arg2[%swap3A, %swap3A_16], %mul3A_15 {strides = array<i32>} : memref<10112x64xf32, #tpu.memory_space<vmem>>, vector<10112x64xf32>,
    %swap3A_18 = arith.constant 0 : index
    %swap3A_19 = arith.constant 0 : index
    %swap3A_20 = vector.load %arg3[%swap3A_18, %swap3A_19] : memref<10112x1xf32, #tpu.memory_space<vmem>>, vector<10112x1xf32>
    tpu.vector_store %arg3[%swap3A_18, %swap3A_19], %rsqrt3A {strides = array<i32>} : memref<10112x1xf32, #tpu.memory_space<vmem>>, vector<10112x1xf32>,
    return
  }
}

module attributes {stable_mosaic.version = 14 : i64} {
  func.func @_k2_body(%arg0: memref<2x10112x64xf32, #tpu.memory_space<vmem>>, %arg1: memref<10112x1xf32, #tpu.memory_space<vmem>>, %arg2: memref<1x64xf32, #tpu.memory_space<vmem>>, %arg3: memref<64x16xf32, #tpu.memory_space<vmem>>, %arg4: memref<10112x16xf32, #tpu.memory_space<vmem>>) attributes {dimension_semantics = [], scalar_prefetch = 0 : i64, scratch_operands = 0 : i64, tpu.core_type = #tpu.core_type<tc>} {
    %get3A = arith.constant 0 : index
    %get3A_0 = arith.constant 0 : index
    %get3A_1 = arith.constant 0 : index
    %get3A_2 = vector.load %arg0[%get3A, %get3A_0, %get3A_1] : memref<2x10112x64xf32, #tpu.memory_space<vmem>>, vector<1x10112x64xf32>
    %get3A_3 = vector.shape_cast %get3A_2 : vector<1x10112x64xf32> to vector<10112x64xf32>
    %get3A_4 = arith.constant 1 : index
    %get3A_5 = arith.constant 0 : index
    %get3A_6 = arith.constant 0 : index
    %get3A_7 = vector.load %arg0[%get3A_4, %get3A_5, %get3A_6] : memref<2x10112x64xf32, #tpu.memory_space<vmem>>, vector<1x10112x64xf32>
    %get3A_8 = vector.shape_cast %get3A_7 : vector<1x10112x64xf32> to vector<10112x64xf32>
    %add3A = arith.addf %get3A_3, %get3A_8 : vector<10112x64xf32>
    %get3A_9 = arith.constant 0 : index
    %get3A_10 = arith.constant 0 : index
    %get3A_11 = vector.load %arg1[%get3A_9, %get3A_10] : memref<10112x1xf32, #tpu.memory_space<vmem>>, vector<10112x1xf32>
    %mul3A = vector.broadcast %get3A_11 : vector<10112x1xf32> to vector<10112x64xf32>
    %mul3A_12 = arith.mulf %mul3A, %add3A : vector<10112x64xf32>
    %get3A_13 = arith.constant 0 : index
    %get3A_14 = arith.constant 0 : index
    %get3A_15 = vector.load %arg2[%get3A_13, %get3A_14] : memref<1x64xf32, #tpu.memory_space<vmem>>, vector<1x64xf32>
    %add3A_16 = vector.broadcast %get3A_15 : vector<1x64xf32> to vector<10112x64xf32>
    %add3A_17 = arith.addf %mul3A_12, %add3A_16 : vector<10112x64xf32>
    %max3A = arith.constant 0.000000e+00 : f32
    %max3A_18 = vector.broadcast %max3A : f32 to vector<10112x64xf32>
    %max3A_19 = arith.maximumf %add3A_17, %max3A_18 : vector<10112x64xf32>
    %get3A_20 = arith.constant 0 : index
    %get3A_21 = arith.constant 0 : index
    %get3A_22 = vector.load %arg3[%get3A_20, %get3A_21] : memref<64x16xf32, #tpu.memory_space<vmem>>, vector<64x16xf32>
    %dot_general3A = arith.constant dense<0.000000e+00> : vector<10112x16xf32>
    %dot_general3A_23 = tpu.matmul %max3A_19, %get3A_22, %dot_general3A {dimension_numbers = #tpu.dot_dimension_numbers<[1], [0], [0], [1], [0, 0, 1, 1], [], []>, transpose_lhs_hint = false} : vector<10112x64xf32>, vector<64x16xf32>, vector<10112x16xf32> -> vector<10112x16xf32>
    %get3A_24 = arith.constant 0 : index
    %get3A_25 = arith.constant 0 : index
    %get3A_26 = vector.load %arg1[%get3A_24, %get3A_25] : memref<10112x1xf32, #tpu.memory_space<vmem>>, vector<10112x1xf32>
    %mul3A_27 = vector.broadcast %get3A_26 : vector<10112x1xf32> to vector<10112x16xf32>
    %mul3A_28 = arith.mulf %dot_general3A_23, %mul3A_27 : vector<10112x16xf32>
    %swap3A = arith.constant 0 : index
    %swap3A_29 = arith.constant 0 : index
    %swap3A_30 = vector.load %arg4[%swap3A, %swap3A_29] : memref<10112x16xf32, #tpu.memory_space<vmem>>, vector<10112x16xf32>
    tpu.vector_store %arg4[%swap3A, %swap3A_29], %mul3A_28 {strides = array<i32>} : memref<10112x16xf32, #tpu.memory_space<vmem>>, vector<10112x16xf32>,
    return
  }
}

module attributes {stable_mosaic.version = 14 : i64} {
  func.func @_k3_body(%arg0: memref<2x10112x16xf32, #tpu.memory_space<vmem>>, %arg1: memref<10112x1xf32, #tpu.memory_space<vmem>>, %arg2: memref<1x16xf32, #tpu.memory_space<vmem>>, %arg3: memref<1x10112xi32, #tpu.memory_space<vmem>>, %arg4: memref<16x1xf32, #tpu.memory_space<vmem>>, %arg5: memref<1x1xf32, #tpu.memory_space<vmem>>, %arg6: memref<64x1xf32, #tpu.memory_space<vmem>>) attributes {dimension_semantics = [], scalar_prefetch = 0 : i64, scratch_operands = 0 : i64, tpu.core_type = #tpu.core_type<tc>} {
    %get3A = arith.constant 0 : index
    %get3A_0 = arith.constant 0 : index
    %get3A_1 = arith.constant 0 : index
    %get3A_2 = vector.load %arg0[%get3A, %get3A_0, %get3A_1] : memref<2x10112x16xf32, #tpu.memory_space<vmem>>, vector<1x10112x16xf32>
    %get3A_3 = vector.shape_cast %get3A_2 : vector<1x10112x16xf32> to vector<10112x16xf32>
    %get3A_4 = arith.constant 1 : index
    %get3A_5 = arith.constant 0 : index
    %get3A_6 = arith.constant 0 : index
    %get3A_7 = vector.load %arg0[%get3A_4, %get3A_5, %get3A_6] : memref<2x10112x16xf32, #tpu.memory_space<vmem>>, vector<1x10112x16xf32>
    %get3A_8 = vector.shape_cast %get3A_7 : vector<1x10112x16xf32> to vector<10112x16xf32>
    %add3A = arith.addf %get3A_3, %get3A_8 : vector<10112x16xf32>
    %get3A_9 = arith.constant 0 : index
    %get3A_10 = arith.constant 0 : index
    %get3A_11 = vector.load %arg1[%get3A_9, %get3A_10] : memref<10112x1xf32, #tpu.memory_space<vmem>>, vector<10112x1xf32>
    %mul3A = vector.broadcast %get3A_11 : vector<10112x1xf32> to vector<10112x16xf32>
    %mul3A_12 = arith.mulf %mul3A, %add3A : vector<10112x16xf32>
    %get3A_13 = arith.constant 0 : index
    %get3A_14 = arith.constant 0 : index
    %get3A_15 = vector.load %arg2[%get3A_13, %get3A_14] : memref<1x16xf32, #tpu.memory_space<vmem>>, vector<1x16xf32>
    %add3A_16 = vector.broadcast %get3A_15 : vector<1x16xf32> to vector<10112x16xf32>
    %add3A_17 = arith.addf %mul3A_12, %add3A_16 : vector<10112x16xf32>
    %max3A = arith.constant 0.000000e+00 : f32
    %max3A_18 = vector.broadcast %max3A : f32 to vector<10112x16xf32>
    %max3A_19 = arith.maximumf %add3A_17, %max3A_18 : vector<10112x16xf32>
    %iota3A = tpu.iota {dimensions = array<i32: 0>} : vector<64x10112xi32>
    %get3A_20 = arith.constant 0 : index
    %get3A_21 = arith.constant 0 : index
    %get3A_22 = vector.load %arg3[%get3A_20, %get3A_21] : memref<1x10112xi32, #tpu.memory_space<vmem>>, vector<1x10112xi32>
    %eq3A = vector.broadcast %get3A_22 : vector<1x10112xi32> to vector<64x10112xi32>
    %eq3A_23 = arith.cmpi eq, %iota3A, %eq3A : vector<64x10112xi32>
    %convert_element_type3A = arith.extui %eq3A_23 : vector<64x10112xi1> to vector<64x10112xi32>
    %convert_element_type3A_24 = arith.sitofp %convert_element_type3A : vector<64x10112xi32> to vector<64x10112xf32>
    %dot_general3A = arith.constant dense<0.000000e+00> : vector<64x16xf32>
    %dot_general3A_25 = tpu.matmul %convert_element_type3A_24, %max3A_19, %dot_general3A {dimension_numbers = #tpu.dot_dimension_numbers<[1], [0], [0], [1], [0, 0, 1, 1], [], []>, transpose_lhs_hint = false} : vector<64x10112xf32>, vector<10112x16xf32>, vector<64x16xf32> -> vector<64x16xf32>
    %reduce_sum3A = arith.constant dense<0.000000e+00> : vector<64xf32>
    %reduce_sum3A_26 = vector.multi_reduction <add>, %convert_element_type3A_24, %reduce_sum3A [1] : vector<64x10112xf32> to vector<64xf32>
    %broadcast_in_dim3A = vector.shape_cast %reduce_sum3A_26 : vector<64xf32> to vector<64x1xf32>
    %max3A_27 = arith.constant 1.000000e+00 : f32
    %max3A_28 = vector.broadcast %max3A_27 : f32 to vector<64x1xf32>
    %max3A_29 = arith.maximumf %broadcast_in_dim3A, %max3A_28 : vector<64x1xf32>
    %div3A = vector.broadcast %max3A_29 : vector<64x1xf32> to vector<64x16xf32>
    %div3A_30 = arith.divf %dot_general3A_25, %div3A : vector<64x16xf32>
    %get3A_31 = arith.constant 0 : index
    %get3A_32 = arith.constant 0 : index
    %get3A_33 = vector.load %arg4[%get3A_31, %get3A_32] : memref<16x1xf32, #tpu.memory_space<vmem>>, vector<16x1xf32>
    %dot_general3A_34 = arith.constant dense<0.000000e+00> : vector<64x1xf32>
    %dot_general3A_35 = tpu.matmul %div3A_30, %get3A_33, %dot_general3A_34 {dimension_numbers = #tpu.dot_dimension_numbers<[1], [0], [0], [1], [0, 0, 1, 1], [], []>, transpose_lhs_hint = false} : vector<64x16xf32>, vector<16x1xf32>, vector<64x1xf32> -> vector<64x1xf32>
    %get3A_36 = arith.constant 0 : index
    %get3A_37 = arith.constant 0 : index
    %get3A_38 = vector.load %arg5[%get3A_36, %get3A_37] : memref<1x1xf32, #tpu.memory_space<vmem>>, vector<1x1xf32>
    %add3A_39 = vector.broadcast %get3A_38 : vector<1x1xf32> to vector<64x1xf32>
    %add3A_40 = arith.addf %dot_general3A_35, %add3A_39 : vector<64x1xf32>
    %swap3A = arith.constant 0 : index
    %swap3A_41 = arith.constant 0 : index
    %swap3A_42 = vector.load %arg6[%swap3A, %swap3A_41] : memref<64x1xf32, #tpu.memory_space<vmem>>, vector<64x1xf32>
    tpu.vector_store %arg6[%swap3A, %swap3A_41], %add3A_40 {strides = array<i32>} : memref<64x1xf32, #tpu.memory_space<vmem>>, vector<64x1xf32>,
    return
  }
}

</mosaic_0001>

<sc_bundles>
// kernel: kernel.12.cloned.1.call-start
scs
__scs_entry_jumppad:
0x0: {  	(pc) =	sbr.rel $0x88, $3  }
0x1: {  	(tag) =	ssettag $0x0;
	lr =	simm.s32 $0x1  }
0x2: {  	[smem:$0x3F98] =	sst lr;
	_ =	strace $0xD0000000  }
0x3: {  	_ = 	snop  }
0x4: {  	_ = 	snop  }
0x5: {  	_ = 	snop  }
0x6: {  	_ = 	snop  }
0x7: {  	_ = 	snop  }
__scs_overlays_trampoline_lowered:
0x8: {  	[smem:$0x3FA7] =	sst s0  }
0x9: {  	[smem:$0x3FA8] =	sst s1  }
0xa: {  	[smem:$0x3FA9] =	sst s2  }
0xb: {  	[smem:$0x3FAA] =	sst s3  }
0xc: {  	[smem:$0x3FAB] =	sst s4  }
0xd: {  	[smem:$0x3FAC] =	sst s5  }
0xe: {  	[smem:$0x3FAD] =	sst s6  }
0xf: {  	[smem:$0x3FAE] =	sst s7  }
0x10: {  	[smem:$0x3FAF] =	sst s8  }
0x11: {  	[smem:$0x3FB0] =	sst s9;
	s0 =	simm.s32 @!p0 $0x0  }
0x12: {  	s1 =	sld [smem:$0x3F96];
	s0 =	simm.s32 @p0 $0x1  }
0x13: {  	[smem:$0x3FB1] =	sst s0;
	s0 =	simm.s32 @!p1 $0x0  }
0x14: {  	s2 =	sld [smem:$0x3F95];
	s0 =	simm.s32 @p1 $0x1  }
0x15: {  	[smem:$0x3FB2] =	sst s0;
	s0 =	simm.s32 @!p2 $0x0  }
0x16: {  	s3 =	sld [smem:$0x3FDB];
	s0 =	simm.s32 @p2 $0x1  }
0x17: {  	s4 =	simm.s32 $0x1BF5;
	[smem:$0x3FB4] =	sst s0  }
0x18: {  	s0 =	sld [smem:$0x3F97];
	_ =	swait.ge [sflag:s4], $0x0  }
0x19: {  	s7 =	sld [smem:$0x3F98]  }
0x1a: {  	s8 =	sadd.s32 $0xFFFFE003, lr  }
0x1b: {  	s9 =	sadd.s32 $0xFFFFFEF7, lr;
	s5 =	simm.s32 $0xFFFFFFFF;
	p2 =	slt.u32 s8, $0xFFFFF086  }
0x1c: {  	p1 =	slt.u32 s9, $0xF7A;
	s5 =	simm.s32 @!p2 $0x0  }
0x1d: {  	s5 =	simm.s32 @p1 $0x1;
	p0 =	seq.s32 s7, s2  }
0x1e: {  	s7 =	smul.u32 @!p0 $0xF7A, s2;
	p2 =	seq.s32 @!p0 s5, $0x0  }
0x1f: {  	s9 =	smul.u32 $0xF7A, s1;
	s8 =	simm.s32 @!p0 $0x1BF5;
	p2 =	por !p2, p0  }
0x20: {  	[sflag:s8] =	ssyncset.s32 @!p0 $0xFFFFF086;
	s6 =	sadd.s32 @!p0 s3, s7;
	s7 =	simm.s32 @!p0 $0x108  }
0x21: {  	s3 =	sadd.s32 s3, s9;
	s6 =	sadd.s32 @!p0 $0x88, s6;
	s7 =	simm.s32 @p2 $0x1082  }
0x22: {  	[simem:s7], [sflag:s8] =	dma.local @!p0 [hbm:s6], $0xF7A  }
0x23: {  	s9 =	sor.u32 $0xD0000000, s2;
	s6 =	simm.s32 $0x108;
	_ =	swait.ge @!p0 [sflag:s8], $0x0  }
0x24: {  	s3 =	sadd.s32 $0x88, s3;
	s6 =	simm.s32 @!p1 $0x1082;
	[sflag:s4] =	ssyncset.s32 $0xFFFFF086  }
0x25: {  	[simem:s6], [sflag:s4] =	dma.local [hbm:s3], $0xF7A  }
0x26: {  	[smem:$0x3F98] =	sst s1;
	(tag) =	ssettag s2;
	_ =	strace s9  }
0x27: {  	s1 =	sld [smem:$0x3FA8]  }
0x28: {  	s2 =	sld [smem:$0x3FA9]  }
0x29: {  	s4 =	sld [smem:$0x3FAB]  }
0x2a: {  	p0 =	seq.s32 s5, $0x0;
	s5 =	sld [smem:$0x3FAC]  }
0x2b: {  	s6 =	sld [smem:$0x3FAD]  }
0x2c: {  	s7 =	sld [smem:$0x3FAE]  }
0x2d: {  	s3 =	simm.s32 $0x108;
	s8 =	sld [smem:$0x3FAF]  }
0x2e: {  	s3 =	simm.s32 @!p0 $0x1082;
	s9 =	sld [smem:$0x3FB0]  }
0x2f: {  	lr =	sadd.s32 s0, s3;
	s0 =	sld [smem:$0x3FA7]  }
0x30: {  	s3 =	sld [smem:$0x3FAA]  }
0x31: {  	[smem:$0x3FB3] =	sst s10  }
0x32: {  	s10 =	sld [smem:$0x3FB1];
	_ =	sdelay $0x3  }
0x33: {  	p0 =	seq.s32 s10, $0x1;
	s10 =	sld [smem:$0x3FB3];
	_ =	sdelay $0x3  }
0x34: {  	[smem:$0x3FB3] =	sst s10  }
0x35: {  	s10 =	sld [smem:$0x3FB2];
	_ =	sdelay $0x3  }
0x36: {  	p1 =	seq.s32 s10, $0x1;
	s10 =	sld [smem:$0x3FB3];
	_ =	sdelay $0x3  }
0x37: {  	[smem:$0x3FB3] =	sst s10  }
0x38: {  	s10 =	sld [smem:$0x3FB4]  }
0x39: {  	_ = 	snop;
	(pc) =	sbr.ind lr, $3  }
0x3a: {  	_ = 	snop  }
0x3b: {  	_ = 	snop  }
0x3c: {  	p2 =	seq.s32 s10, $0x1;
	s10 =	sld [smem:$0x3FB3]  }
0x3d: {  	_ =	shalt  }
0x3e: {  	_ =	shalt  }
0x3f: {  	_ =	shalt  }
0x40: {  	_ =	shalt  }
0x41: {  	_ =	shalt  }
0x42: {  	_ =	shalt  }
0x43: {  	_ =	shalt  }
0x44: {  	_ =	shalt  }
0x45: {  	_ =	shalt  }
0x46: {  	_ =	shalt  }
0x47: {  	_ =	shalt  }
0x48: {  	_ =	shalt  }
0x49: {  	_ =	shalt  }
0x4a: {  	_ =	shalt  }
0x4b: {  	_ =	shalt  }
0x4c: {  	_ =	shalt  }
0x4d: {  	_ =	shalt  }
0x4e: {  	_ =	shalt  }
0x4f: {  	_ =	shalt  }
0x50: {  	_ =	shalt  }
0x51: {  	_ =	shalt  }
0x52: {  	_ =	shalt  }
0x53: {  	_ =	shalt  }
0x54: {  	_ =	shalt  }
0x55: {  	_ =	shalt  }
0x56: {  	_ =	shalt  }
0x57: {  	_ =	shalt  }
0x58: {  	_ =	shalt  }
0x59: {  	_ =	shalt  }
0x5a: {  	_ =	shalt  }
0x5b: {  	_ =	shalt  }
0x5c: {  	_ =	shalt  }
0x5d: {  	_ =	shalt  }
0x5e: {  	_ =	shalt  }
0x5f: {  	_ =	shalt  }
0x60: {  	_ =	shalt  }
0x61: {  	_ =	shalt  }
0x62: {  	_ =	shalt  }
0x63: {  	_ =	shalt  }
0x64: {  	_ =	shalt  }
0x65: {  	_ =	shalt  }
0x66: {  	_ =	shalt  }
0x67: {  	_ =	shalt  }
0x68: {  	_ =	shalt  }
0x69: {  	_ =	shalt  }
0x6a: {  	_ =	shalt  }
0x6b: {  	_ =	shalt  }
0x6c: {  	_ =	shalt  }
0x6d: {  	_ =	shalt  }
0x6e: {  	_ =	shalt  }
0x6f: {  	_ =	shalt  }
0x70: {  	_ =	shalt  }
0x71: {  	_ =	shalt  }
0x72: {  	_ =	shalt  }
0x73: {  	_ =	shalt  }
0x74: {  	_ =	shalt  }
0x75: {  	_ =	shalt  }
0x76: {  	_ =	shalt  }
0x77: {  	_ =	shalt  }
0x78: {  	_ =	shalt  }
0x79: {  	_ =	shalt  }
0x7a: {  	_ =	shalt  }
0x7b: {  	_ =	shalt  }
0x7c: {  	_ =	shalt  }
0x7d: {  	_ =	shalt  }
0x7e: {  	_ =	shalt  }
0x7f: {  	_ =	shalt  }
0x80: {  	_ =	shalt  }
0x81: {  	_ =	shalt  }
0x82: {  	_ =	shalt  }
0x83: {  	_ =	shalt  }
0x84: {  	_ =	shalt  }
0x85: {  	_ =	shalt  }
0x86: {  	_ =	shalt  }
0x87: {  	_ =	shalt  }
.Lfunc_end0:
.L_simem_size_0:
called_computation.1_lowered:
.L_overlay_start_0:
0x88: {  	s2 =	sld [smem:$0x3FD9]  }
0x89: {  	s3 =	sld [smem:$0x3FFE];
	_ =	sdelay $0x1  }
0x8a: {  	s1 =	srdreg.scid  }
0x8b: {  	s0 =	sand.u32 $0x1, s1  }
0x8c: {  	s16 =	sshll.u32 s0, $0xA;
	s2 =	sadd.s32 s3, s2  }
0x8d: {  	s2 =	sadd.s32 s2, s16  }
0x8e: {  	[smem:$0x3FBF] =	sst s2  }
0x8f: {  	_ = 	snop  }
0x90: {  	(tm) =	ssettm $0x1  }
0x91: {  	s17 =	sld [smem:$0x3FFB];
	_ =	sdelay $0x3  }
0x92: {  	_ =	strace s17  }
0x93: {  	s2 =	sld [smem:$0x3FFC];
	_ =	sdelay $0x3  }
0x94: {  	_ =	strace s2  }
0x95: {  	s2 =	sld [smem:$0x3FFD];
	_ =	sdelay $0x3  }
0x96: {  	_ =	strace s2  }
0x97: {  	_ =	strace $0x8FFFFFFF  }
0x98: {  	s18 =	sld [smem:$0x3FDB];
	_ =	sdelay $0x1  }
0x99: {  	s19 =	simm.s32 $_scs_section_size  }
0x9a: {  	s4 =	simm.s32 $_size__tile_overlayer_lowered;
	s5 =	simm.s32 $_tile_overlayer_lowered  }
0x9b: {  	s22 =	simm.s32 $0x1BFF;
	s21 =	sshll.u32 s5, $0x1;
	s2 =	sadd.s32 s19, s18  }
0x9c: {  	s6 =	simm.s32 $0x0;
	s20 =	sshll.u32 s4, $0x1;
	s4 =	sadd.s32 s21, s2  }
0x9d: {  	[timem:s6], [sflag:s22] =	dma.local [hbm:s4], s20  }
0x9e: {  	_ =	swait.ge [sflag:s22], s20  }
0x9f: {  	s3 =	ssub.s32 $0x0, s20;
	[sflag:s22] =	ssyncset.done $0x0  }
0xa0: {  	[sflag:s22] =	ssyncadd.s32 s3;
	_ =	sdelay $0x1  }
0xa1: {  	s23 =	simm.s32 $0x1B8B  }
0xa2: {  	_ =	swait.ge [sflag:s23], $0x1  }
0xa3: {  	[sflag:s23] =	ssyncset.done $0x0  }
0xa4: {  	s25 =	simm.s32 $0x1B8E;
	s24 =	sld [smem:$0x3FFE];
	[sflag:s23] =	ssyncadd.s32 $0xFFFFFFFF  }
0xa5: {  	s26 =	simm.s32 $execute0_lowered;
	[smem:$0x3FD2] =	sst s25  }
0xa6: {  	s4 =	sshll.u32 s26, $0x1;
	_ =	strace $0x80000049;
	[dreg:$0x1] =	wrdreg $0xFFFFFFFF  }
0xa7: {  	s28 =	simm.s32 $_size_execute0_lowered;
	s2 =	sadd.s32 s2, s4;
	[dreg:$0x0] =	wrdreg $0x0  }
0xa8: {  	s4 =	sshll.u32 s28, $0x1;
	[dreg:$0x2] =	wrdreg s2  }
0xa9: {  	[dreg:$0x3] =	wrdreg s4  }
0xaa: {  	[dreg:$0x4] =	wrdreg $0xC0  }
0xab: {  	_ =	task [dreg:s6], $0x5FFFF  }
0xac: {  	[dreg:$0x1] =	wrdreg $0xFFFFFFFF  }
0xad: {  	[dreg:$0x0] =	wrdreg $0x60  }
0xae: {  	[dreg:$0x2] =	wrdreg s24  }
0xaf: {  	[dreg:$0x3] =	wrdreg $0x90000  }
0xb0: {  	[dreg:$0x4] =	wrdreg $0x12E000  }
0xb1: {  	[dreg:$0x5] =	wrdreg $0x9  }
0xb2: {  	_ =	task.clear_ibuf [dreg:s6], $0x6FFFF;
	_ =	strace $0x90000049  }
0xb3: {  	s29 =	simm.s32 $0x9;
	_ =	strace $0x8000004B  }
0xb4: {  	_ =	swait.ge [sflag:s29], $0x1  }
0xb5: {  	[sflag:s29] =	ssyncadd.s32 $0xFFFFFFFF  }
0xb6: {  	_ =	strace $0x9000004B  }
0xb7: {  	_ =	sfence  }
0xb8: {  	s30 =	sld [smem:$0x0];
	_ =	sdelay $0x2  }
0xb9: {  	s31 =	sshll.u32 s1, $0xD;
	s1 =	sshrl.u32 s1, $0x2  }
0xba: {  	s3 =	sand.u32 $0x4000, s31;
	s1 =	sadd.s32 s1, s30  }
0xbb: {  	s0 =	sor.u32 s3, s0;
	s1 =	sshll.u32 s1, $0x11  }
0xbc: {  	s0 =	sor.u32 s1, s0  }
0xbd: {  	s0 =	sadd.s32 $0x8F2B, s0  }
0xbe: {  	[sflag:s0] =	ssyncadd.remote.s32 $0x1  }
0xbf: {  	_ =	sfence.sel $0xFFFF  }
0xc0: {  	[dreg:$0x0] =	wrdreg $0xFFFFFFFF;
	(pc) =	sbr.abs _section_cstart, $3  }
0xc1: {  	[dreg:$0x1] =	wrdreg $0xFFFFFFFF  }
0xc2: {  	_ =	task.clear_ibuf [dreg:s6], $0x2FFFF;
	_ =	strace $0x9FFFFFFF  }
0xc3: {  	(tm) =	ssettm $0x7FFFFFFF  }
tec
execute0_lowered:
.L_overlay_start_1:
0x0: {  	(tag) =	ssettag $0x1  }
0x1: {  	s0 =	rddreg [dreg:$0x0]  }
0x2: {  	s2 =	rddreg [dreg:$0x1]  }
0x3: {  	s3 =	rddreg [dreg:$0x2]  }
0x4: {  	s1 =	stileid.u32;
	s5 =	srdreg.scid  }
0x5: {  	s4 =	simm.s32 $0x0;
	s16 =	simm.s32 $0x5;
	s17 =	simm.s32 $0x2800  }
0x6: {  	s18 =	simm.s32 $0x5000;
	s21 =	simm.s32 $0x80;
	s22 =	simm.s32 $0x7000  }
0x7: {  	s28 =	simm.s32 $0x4F00;
	s29 =	simm.s32 $0x4F80;
	s30 =	simm.s32 $0x0  }
0x8: {  	s14 =	smul.u32 $0x9E00, s1;
	s7 =	sand.u32 $0x1, s5;
	[smem:$0x7FF] =	sst s4  }
0x9: {  	s23 =	sshll.u32 s1, $0x1;
	s10 =	smul.u32 $0x27800, s1;
	s31 =	sshll.u32 s1, $0x6  }
0xa: {  	s6 =	smul.u32 $0x9E000, s7;
	_ =	strace $0x8000004A;
	s5 =	sor.u32 s7, s23  }
0xb: {  	s24 =	ssub.s32 $0x2, s7;
	p0 =	seq.s32 s7, $0x1;
	s19 =	sor.u32 $0x1C05, s31  }
0xc: {  	s23 =	simm.s32 $0x1;
	s8 =	sshrl.u32 s14, $0x3;
	s5 =	smul.u32 $0x500, s5  }
0xd: {  	s25 =	sshrl.u32 s24, $0x1;
	s26 =	sshrl.u32 s10, $0x2;
	s20 =	sadd.s32 s14, s3  }
0xe: {  	s9 =	sadd.s32 s8, s0;
	s6 =	sadd.s32 s14, s6;
	s15 =	ssub.s32 s24, s25  }
0xf: {  	s7 =	sadd.s32 s26, s2;
	s8 =	sadd.s32 s14, s2;
	s20 =	sshrl.u32 s20, $0x3  }
0x10: {  	s24 =	simm.s32 $0x2;
	s25 =	simm.s32 $0x3;
	s26 =	simm.s32 $0x4  }
0x11: {  	s6 =	sshrl.u32 s6, $0x3;
	s11 =	sadd.s32 s5, s0;
	s9 =	sadd.s32 $0x15E00, s9  }
0x12: {  	s10 =	sadd.s32 $0x2000, s7;
	s12 =	sadd.s32 $0x6000, s7;
	s13 =	sadd.s32 $0x8000, s7  }
0x13: {  	s15 =	smax.u32 s15, $0x1;
	s0 =	sadd.s32 s6, s0;
	s5 =	sadd.s32 $0xBE00, s11  }
0x14: {  	v0 =	vimm.f32 $0.0e+00;
	s6 =	sadd.s32 $0xE00, s11;
	s11 =	sadd.s32 $0x4000, s7;
	s14 =	sadd.s32 $0x29A00, s0  }
.LBB2_1:
0x15: {  	[tilespmem:s4], [sflag:$0x5] =	stream.linear.gather [hbm4b:s5+s4], $0x2800, $0x38;
	[tilespmem:$0x1CC00] =	vst v63  }
0x16: {  	_ =	swait.ge [sflag:s16], $0x2800  }
0x17: {  	[sflag:s16] =	ssyncset.done $0x0  }
.Ltmp0:
0x18: {  	[sflag:s16] =	ssyncadd.s32 $0xFFFFD800;
	(pc) =	sbr.rel @!p0 .LBB2_2-.Ltmp0, $4  }
0x19: {  	[tilespmem:s17], [sflag:$0x5] =	stream.linear.gather [hbm4b:s6+s4], $0x2800, $0x38;
	[tilespmem:$0x1CC00] =	vst v63  }
0x1a: {  	_ =	swait.ge [sflag:s16], $0x2800  }
0x1b: {  	[sflag:s16] =	ssyncset.done $0x0  }
0x1c: {  	[sflag:s16] =	ssyncadd.s32 $0xFFFFD800  }
0x1d: {  	s0 =	simm.s32 $0x100;
	s31 =	simm.s32 $0x0  }
.LBB2_4:
0x1e: {  	p1 =	sne.s32 s0, $0x7F00;
	[tilespmem:s31+$0x5030] =	vst v0;
	s1 =	smov.u32 s0;
	s0 =	sadd.s32 $0x100, s0  }
.Ltmp1:
0x1f: {  	[tilespmem:s31+$0x5020] =	vst v0;
	(pc) =	sbr.rel @p1 .LBB2_4-.Ltmp1, $3  }
0x20: {  	[tilespmem:s31+$0x5000] =	vst v0  }
0x21: {  	[tilespmem:s31+$0x5010] =	vst v0;
	_ =	sdelay $0x1  }
0x22: {  	s31 =	sshra.s32 s1, $0x2  }
0x23: {  	[tilespmem:s31+$0x5030] =	vst v0  }
0x24: {  	[tilespmem:s31+$0x5020] =	vst v0  }
0x25: {  	[tilespmem:s31+$0x5000] =	vst v0  }
0x26: {  	[tilespmem:s31+$0x5010] =	vst v0  }
0x27: {  	[spmem:s7] =	stream.linear.scatter [tilespmem:s18], [sflag:$0x5], $0x2000, $0x38;
	[tilespmem:$0x1CC00] =	vst v63  }
0x28: {  	_ =	swait.ge [sflag:s16], $0x2000  }
0x29: {  	[sflag:s16] =	ssyncset.done $0x0  }
0x2a: {  	[sflag:s16] =	ssyncadd.s32 $0xFFFFE000  }
0x2b: {  	[spmem:s10] =	stream.linear.scatter [tilespmem:s18], [sflag:$0x5], $0x2000, $0x38;
	[tilespmem:$0x1CC00] =	vst v63  }
0x2c: {  	_ =	swait.ge [sflag:s16], $0x2000  }
0x2d: {  	[sflag:s16] =	ssyncset.done $0x0  }
0x2e: {  	[sflag:s16] =	ssyncadd.s32 $0xFFFFE000  }
0x2f: {  	[spmem:s11] =	stream.linear.scatter [tilespmem:s18], [sflag:$0x5], $0x2000, $0x38;
	[tilespmem:$0x1CC00] =	vst v63  }
0x30: {  	_ =	swait.ge [sflag:s16], $0x2000  }
0x31: {  	[sflag:s16] =	ssyncset.done $0x0  }
0x32: {  	[sflag:s16] =	ssyncadd.s32 $0xFFFFE000  }
0x33: {  	[spmem:s12] =	stream.linear.scatter [tilespmem:s18], [sflag:$0x5], $0x2000, $0x38;
	[tilespmem:$0x1CC00] =	vst v63  }
0x34: {  	_ =	swait.ge [sflag:s16], $0x2000  }
0x35: {  	[sflag:s16] =	ssyncset.done $0x0  }
.Ltmp2:
0x36: {  	[sflag:s16] =	ssyncadd.s32 $0xFFFFE000;
	(pc) =	sbr.rel .LBB2_6-.Ltmp2, $4  }
0x37: {  	[spmem:s13] =	stream.linear.scatter [tilespmem:s18], [sflag:$0x5], $0x1E00, $0x38;
	[tilespmem:$0x1CC00] =	vst v63  }
0x38: {  	_ =	swait.ge [sflag:s16], $0x1E00  }
0x39: {  	[sflag:s16] =	ssyncset.done $0x0  }
0x3a: {  	[sflag:s16] =	ssyncadd.s32 $0xFFFFE200  }
.LBB2_2:
0x3b: {  	s0 =	sshrl.u32 s8, $0x3  }
0x3c: {  	[spmem:s0], [sflag:s19] =	dma.local [hbm:s9], $0x13C0  }
0x3d: {  	_ =	swait.ge [sflag:s16], $0x13C0  }
0x3e: {  	[sflag:s16] =	ssyncset.done $0x0  }
0x3f: {  	[sflag:s16] =	ssyncadd.s32 $0xFFFFEC40  }
.LBB2_6:
0x40: {  	[spmem:s20], [sflag:s19] =	dma.local [hbm:s9], $0x13C0  }
0x41: {  	_ =	swait.ge [sflag:s16], $0x13C0  }
0x42: {  	[sflag:s16] =	ssyncset.done $0x0  }
0x43: {  	[sflag:s16] =	ssyncadd.s32 $0xFFFFEC40  }
0x44: {  	s0 =	simm.s32 $0x0;
	[bflag:$0x0] =	sbarrier.arrive $0xFFFF  }
0x45: {  	[tilespmem:s18], [sflag:$0x1] =	stream.indirect.gather [spmem:s3], $0x40, s0, s21, $0xb8;
	[tilespmem:$0x1CC00] =	vst v63  }
0x46: {  	_ = 	snop  }
0x47: {  	[tilespmem:s22], [sflag:$0x2] =	stream.indirect.gather [spmem:s3], $0x40, s21, s21, $0xb8;
	[tilespmem:$0x1CC00] =	vst v63  }
0x48: {  	_ =	swait.ge [sflag:s23], $0x2000  }
0x49: {  	[sflag:s23] =	ssyncset.done $0x0  }
0x4a: {  	s1 =	simm.s32 $0x2800;
	[sflag:s23] =	ssyncadd.s32 $0xFFFFE000  }
0x4b: {  	[spmem:s2] =	stream.indirect.scatter.add.f32 [tilespmem:s18], [sflag:$0x3], $0x40, s1, s21, $0xb8;
	[tilespmem:$0x1CC00] =	vst v63  }
0x4c: {  	_ =	swait.ge [sflag:s24], $0x2000  }
0x4d: {  	[sflag:s24] =	ssyncset.done $0x0  }
0x4e: {  	s1 =	simm.s32 $0x2880;
	[sflag:s24] =	ssyncadd.s32 $0xFFFFE000  }
0x4f: {  	[spmem:s2] =	stream.indirect.scatter.add.f32 [tilespmem:s22], [sflag:$0x4], $0x40, s1, s21, $0xb8;
	[tilespmem:$0x1CC00] =	vst v63  }
0x50: {  	_ =	swait.ge [sflag:s25], $0x2000  }
0x51: {  	[sflag:s25] =	ssyncset.done $0x0  }
0x52: {  	s1 =	simm.s32 $0x100;
	[sflag:s25] =	ssyncadd.s32 $0xFFFFE000  }
0x53: {  	[tilespmem:s18], [sflag:$0x1] =	stream.indirect.gather [spmem:s3], $0x40, s1, s21, $0xb8;
	[tilespmem:$0x1CC00] =	vst v63  }
0x54: {  	_ =	swait.ge [sflag:s26], $0x2000  }
0x55: {  	[sflag:s26] =	ssyncset.done $0x0  }
0x56: {  	s31 =	simm.s32 $0x400;
	s0 =	simm.s32 $0x180;
	[sflag:s26] =	ssyncadd.s32 $0xFFFFE000  }
.LBB2_7:
0x57: {  	[tilespmem:s22], [sflag:$0x2] =	stream.indirect.gather [spmem:s3], $0x40, s0, s21, $0xb8;
	[tilespmem:$0x1CC00] =	vst v63  }
0x58: {  	s0 =	smov.u32 s31  }
0x59: {  	p1 =	sne.s32 s31, $0x9800;
	s31 =	sadd.s32 $0x400, s31;
	_ =	swait.ge [sflag:s23], $0x2000  }
0x5a: {  	s0 =	sshra.s32 s0, $0x2;
	[sflag:s23] =	ssyncset.done $0x0  }
0x5b: {  	s1 =	sadd.s32 $0x2800, s0;
	[sflag:s23] =	ssyncadd.s32 $0xFFFFE000  }
0x5c: {  	[spmem:s2] =	stream.indirect.scatter.add.f32 [tilespmem:s18], [sflag:$0x3], $0x40, s1, s21, $0xb8;
	[tilespmem:$0x1CC00] =	vst v63  }
0x5d: {  	_ =	swait.ge [sflag:s24], $0x2000  }
0x5e: {  	[sflag:s24] =	ssyncset.done $0x0  }
0x5f: {  	s1 =	sadd.s32 $0x2880, s0;
	[sflag:s24] =	ssyncadd.s32 $0xFFFFE000  }
0x60: {  	[spmem:s2] =	stream.indirect.scatter.add.f32 [tilespmem:s22], [sflag:$0x4], $0x40, s1, s21, $0xb8;
	[tilespmem:$0x1CC00] =	vst v63  }
0x61: {  	_ =	swait.ge [sflag:s25], $0x2000  }
0x62: {  	[sflag:s25] =	ssyncset.done $0x0  }
.Ltmp3:
0x63: {  	s1 =	sadd.s32 $0x100, s0;
	[sflag:s25] =	ssyncadd.s32 $0xFFFFE000;
	(pc) =	sbr.rel @p1 .LBB2_7-.Ltmp3, $4  }
0x64: {  	[tilespmem:s18], [sflag:$0x1] =	stream.indirect.gather [spmem:s3], $0x40, s1, s21, $0xb8;
	[tilespmem:$0x1CC00] =	vst v63  }
0x65: {  	_ =	swait.ge [sflag:s26], $0x2000  }
0x66: {  	[sflag:s26] =	ssyncset.done $0x0  }
0x67: {  	s0 =	sadd.s32 $0x180, s0;
	[sflag:s26] =	ssyncadd.s32 $0xFFFFE000  }
0x68: {  	[tilespmem:s22], [sflag:$0x2] =	stream.indirect.gather [spmem:s3], $0x40, s0, s21, $0xb8;
	[tilespmem:$0x1CC00] =	vst v63  }
0x69: {  	_ =	swait.ge [sflag:s23], $0x2000  }
0x6a: {  	[sflag:s23] =	ssyncset.done $0x0  }
0x6b: {  	[sflag:s23] =	ssyncadd.s32 $0xFFFFE000  }
0x6c: {  	[spmem:s2] =	stream.indirect.scatter.add.f32 [tilespmem:s18], [sflag:$0x3], $0x40, s28, s21, $0xb8;
	[tilespmem:$0x1CC00] =	vst v63  }
0x6d: {  	_ =	swait.ge [sflag:s24], $0x2000  }
0x6e: {  	[sflag:s24] =	ssyncset.done $0x0  }
0x6f: {  	[sflag:s24] =	ssyncadd.s32 $0xFFFFE000  }
0x70: {  	[spmem:s2] =	stream.indirect.scatter.add.f32 [tilespmem:s22], [sflag:$0x4], $0x40, s29, s21, $0xb8;
	[tilespmem:$0x1CC00] =	vst v63  }
0x71: {  	_ =	swait.ge [sflag:s25], $0x2000  }
0x72: {  	[sflag:s25] =	ssyncset.done $0x0  }
0x73: {  	[sflag:s25] =	ssyncadd.s32 $0xFFFFE000  }
0x74: {  	_ =	swait.ge [sflag:s26], $0x2000  }
0x75: {  	s30 =	sadd.s32 $0x1, s30;
	[sflag:s26] =	ssyncset.done $0x0  }
0x76: {  	p1 =	sne.s32 s30, s15;
	[sflag:s26] =	ssyncadd.s32 $0xFFFFE000  }
.Ltmp4:
0x77: {  	s31 =	sshrl.u32 s8, $0x3;
	[bflag:$0x0] =	sbarrier.arrive $0xFFFF;
	(pc) =	sbr.rel @p1 .LBB2_1-.Ltmp4, $4  }
0x78: {  	[hbm:s14], [sflag:s19] =	dma.local [spmem:s31], $0x13C0  }
0x79: {  	_ =	swait.ge [sflag:s16], $0x13C0  }
0x7a: {  	[sflag:s16] =	ssyncset.done $0x0  }
0x7b: {  	[sflag:s16] =	ssyncadd.s32 $0xFFFFEC40  }
0x7c: {  	_ =	sfence.sel $0x180000  }
0x7d: {  	[bflag:$0x0] =	sbarrier.arrive $0xFFFF  }
0x7e: {  	_ =	strace $0x9000004A  }
0x7f: {  	s0 =	stileid.u32;
	[bflag:$0x2] =	sbarrier.arrive $0xFFFF  }
0x80: {  	p0 =	sne.s32 s0, $0x0;
	s0 =	rddreg [dreg:$0x3]  }
0x81: {  	s0 =	sadd.s32 @!p0 $0x100000, s0  }
0x82: {  	[sflag:s0] =	ssyncadd.tile.s32 @!p0 $0x1;
	_ =	shalt  }
.Lfunc_end2:
_tile_overlayer_lowered:
.L_overlay_start_2:
0x83: {  	(tag) =	ssettag $0x2  }
0x84: {  	s0 =	rddreg [dreg:$0x0];
	s2 =	stileid.u32  }
0x85: {  	s1 =	rddreg [dreg:$0x1];
	p0 =	sne.s32 s2, $0x0  }
0x86: {  	s3 =	rddreg [dreg:$0x2];
	[bflag:$0x3] =	sbarrier.arrive $0xFFFF;
	s2 =	simm.s32 @!p0 $0x1C05  }
0x87: {  	[timem:s3], [sflag:s2] =	dma.local @!p0 [hbm:s0], s1  }
0x88: {  	s0 =	simm.s32 @!p0 $0x5  }
0x89: {  	_ =	swait.ge @!p0 [sflag:s0], s1  }
0x8a: {  	s1 =	ssub.s32 @!p0 $0x0, s1;
	[sflag:s0] =	ssyncset.done @!p0 $0x0  }
0x8b: {  	[sflag:s0] =	ssyncadd.s32 @!p0 s1  }
0x8c: {  	[bflag:$0x3] =	sbarrier.arrive $0xFFFF  }
0x8d: {  	_ =	shalt  }

// kernel: kernel.15.cloned.1.call-start
scs
__scs_entry_jumppad:
0x0: {  	(pc) =	sbr.rel $0x88, $3  }
0x1: {  	(tag) =	ssettag $0x0;
	lr =	simm.s32 $0x1  }
0x2: {  	[smem:$0x3F98] =	sst lr;
	_ =	strace $0xD0000000  }
0x3: {  	_ = 	snop  }
0x4: {  	_ = 	snop  }
0x5: {  	_ = 	snop  }
0x6: {  	_ = 	snop  }
0x7: {  	_ = 	snop  }
__scs_overlays_trampoline_lowered:
0x8: {  	[smem:$0x3FA7] =	sst s0  }
0x9: {  	[smem:$0x3FA8] =	sst s1  }
0xa: {  	[smem:$0x3FA9] =	sst s2  }
0xb: {  	[smem:$0x3FAA] =	sst s3  }
0xc: {  	[smem:$0x3FAB] =	sst s4  }
0xd: {  	[smem:$0x3FAC] =	sst s5  }
0xe: {  	[smem:$0x3FAD] =	sst s6  }
0xf: {  	[smem:$0x3FAE] =	sst s7  }
0x10: {  	[smem:$0x3FAF] =	sst s8  }
0x11: {  	[smem:$0x3FB0] =	sst s9;
	s0 =	simm.s32 @!p0 $0x0  }
0x12: {  	s1 =	sld [smem:$0x3F96];
	s0 =	simm.s32 @p0 $0x1  }
0x13: {  	[smem:$0x3FB1] =	sst s0;
	s0 =	simm.s32 @!p1 $0x0  }
0x14: {  	s2 =	sld [smem:$0x3F95];
	s0 =	simm.s32 @p1 $0x1  }
0x15: {  	[smem:$0x3FB2] =	sst s0;
	s0 =	simm.s32 @!p2 $0x0  }
0x16: {  	s3 =	sld [smem:$0x3FDB];
	s0 =	simm.s32 @p2 $0x1  }
0x17: {  	s4 =	simm.s32 $0x1BF5;
	[smem:$0x3FB4] =	sst s0  }
0x18: {  	s0 =	sld [smem:$0x3F97];
	_ =	swait.ge [sflag:s4], $0x0  }
0x19: {  	s7 =	sld [smem:$0x3F98]  }
0x1a: {  	s8 =	sadd.s32 $0xFFFFE003, lr  }
0x1b: {  	s9 =	sadd.s32 $0xFFFFFEF7, lr;
	s5 =	simm.s32 $0xFFFFFFFF;
	p2 =	slt.u32 s8, $0xFFFFF086  }
0x1c: {  	p1 =	slt.u32 s9, $0xF7A;
	s5 =	simm.s32 @!p2 $0x0  }
0x1d: {  	s5 =	simm.s32 @p1 $0x1;
	p0 =	seq.s32 s7, s2  }
0x1e: {  	s7 =	smul.u32 @!p0 $0xF7A, s2;
	p2 =	seq.s32 @!p0 s5, $0x0  }
0x1f: {  	s9 =	smul.u32 $0xF7A, s1;
	s8 =	simm.s32 @!p0 $0x1BF5;
	p2 =	por !p2, p0  }
0x20: {  	[sflag:s8] =	ssyncset.s32 @!p0 $0xFFFFF086;
	s6 =	sadd.s32 @!p0 s3, s7;
	s7 =	simm.s32 @!p0 $0x108  }
0x21: {  	s3 =	sadd.s32 s3, s9;
	s6 =	sadd.s32 @!p0 $0x88, s6;
	s7 =	simm.s32 @p2 $0x1082  }
0x22: {  	[simem:s7], [sflag:s8] =	dma.local @!p0 [hbm:s6], $0xF7A  }
0x23: {  	s9 =	sor.u32 $0xD0000000, s2;
	s6 =	simm.s32 $0x108;
	_ =	swait.ge @!p0 [sflag:s8], $0x0  }
0x24: {  	s3 =	sadd.s32 $0x88, s3;
	s6 =	simm.s32 @!p1 $0x1082;
	[sflag:s4] =	ssyncset.s32 $0xFFFFF086  }
0x25: {  	[simem:s6], [sflag:s4] =	dma.local [hbm:s3], $0xF7A  }
0x26: {  	[smem:$0x3F98] =	sst s1;
	(tag) =	ssettag s2;
	_ =	strace s9  }
0x27: {  	s1 =	sld [smem:$0x3FA8]  }
0x28: {  	s2 =	sld [smem:$0x3FA9]  }
0x29: {  	s4 =	sld [smem:$0x3FAB]  }
0x2a: {  	p0 =	seq.s32 s5, $0x0;
	s5 =	sld [smem:$0x3FAC]  }
0x2b: {  	s6 =	sld [smem:$0x3FAD]  }
0x2c: {  	s7 =	sld [smem:$0x3FAE]  }
0x2d: {  	s3 =	simm.s32 $0x108;
	s8 =	sld [smem:$0x3FAF]  }
0x2e: {  	s3 =	simm.s32 @!p0 $0x1082;
	s9 =	sld [smem:$0x3FB0]  }
0x2f: {  	lr =	sadd.s32 s0, s3;
	s0 =	sld [smem:$0x3FA7]  }
0x30: {  	s3 =	sld [smem:$0x3FAA]  }
0x31: {  	[smem:$0x3FB3] =	sst s10  }
0x32: {  	s10 =	sld [smem:$0x3FB1];
	_ =	sdelay $0x3  }
0x33: {  	p0 =	seq.s32 s10, $0x1;
	s10 =	sld [smem:$0x3FB3];
	_ =	sdelay $0x3  }
0x34: {  	[smem:$0x3FB3] =	sst s10  }
0x35: {  	s10 =	sld [smem:$0x3FB2];
	_ =	sdelay $0x3  }
0x36: {  	p1 =	seq.s32 s10, $0x1;
	s10 =	sld [smem:$0x3FB3];
	_ =	sdelay $0x3  }
0x37: {  	[smem:$0x3FB3] =	sst s10  }
0x38: {  	s10 =	sld [smem:$0x3FB4]  }
0x39: {  	_ = 	snop;
	(pc) =	sbr.ind lr, $3  }
0x3a: {  	_ = 	snop  }
0x3b: {  	_ = 	snop  }
0x3c: {  	p2 =	seq.s32 s10, $0x1;
	s10 =	sld [smem:$0x3FB3]  }
0x3d: {  	_ =	shalt  }
0x3e: {  	_ =	shalt  }
0x3f: {  	_ =	shalt  }
0x40: {  	_ =	shalt  }
0x41: {  	_ =	shalt  }
0x42: {  	_ =	shalt  }
0x43: {  	_ =	shalt  }
0x44: {  	_ =	shalt  }
0x45: {  	_ =	shalt  }
0x46: {  	_ =	shalt  }
0x47: {  	_ =	shalt  }
0x48: {  	_ =	shalt  }
0x49: {  	_ =	shalt  }
0x4a: {  	_ =	shalt  }
0x4b: {  	_ =	shalt  }
0x4c: {  	_ =	shalt  }
0x4d: {  	_ =	shalt  }
0x4e: {  	_ =	shalt  }
0x4f: {  	_ =	shalt  }
0x50: {  	_ =	shalt  }
0x51: {  	_ =	shalt  }
0x52: {  	_ =	shalt  }
0x53: {  	_ =	shalt  }
0x54: {  	_ =	shalt  }
0x55: {  	_ =	shalt  }
0x56: {  	_ =	shalt  }
0x57: {  	_ =	shalt  }
0x58: {  	_ =	shalt  }
0x59: {  	_ =	shalt  }
0x5a: {  	_ =	shalt  }
0x5b: {  	_ =	shalt  }
0x5c: {  	_ =	shalt  }
0x5d: {  	_ =	shalt  }
0x5e: {  	_ =	shalt  }
0x5f: {  	_ =	shalt  }
0x60: {  	_ =	shalt  }
0x61: {  	_ =	shalt  }
0x62: {  	_ =	shalt  }
0x63: {  	_ =	shalt  }
0x64: {  	_ =	shalt  }
0x65: {  	_ =	shalt  }
0x66: {  	_ =	shalt  }
0x67: {  	_ =	shalt  }
0x68: {  	_ =	shalt  }
0x69: {  	_ =	shalt  }
0x6a: {  	_ =	shalt  }
0x6b: {  	_ =	shalt  }
0x6c: {  	_ =	shalt  }
0x6d: {  	_ =	shalt  }
0x6e: {  	_ =	shalt  }
0x6f: {  	_ =	shalt  }
0x70: {  	_ =	shalt  }
0x71: {  	_ =	shalt  }
0x72: {  	_ =	shalt  }
0x73: {  	_ =	shalt  }
0x74: {  	_ =	shalt  }
0x75: {  	_ =	shalt  }
0x76: {  	_ =	shalt  }
0x77: {  	_ =	shalt  }
0x78: {  	_ =	shalt  }
0x79: {  	_ =	shalt  }
0x7a: {  	_ =	shalt  }
0x7b: {  	_ =	shalt  }
0x7c: {  	_ =	shalt  }
0x7d: {  	_ =	shalt  }
0x7e: {  	_ =	shalt  }
0x7f: {  	_ =	shalt  }
0x80: {  	_ =	shalt  }
0x81: {  	_ =	shalt  }
0x82: {  	_ =	shalt  }
0x83: {  	_ =	shalt  }
0x84: {  	_ =	shalt  }
0x85: {  	_ =	shalt  }
0x86: {  	_ =	shalt  }
0x87: {  	_ =	shalt  }
.Lfunc_end0:
.L_simem_size_0:
called_computation.2_lowered:
.L_overlay_start_0:
0x88: {  	s2 =	sld [smem:$0x3FD9]  }
0x89: {  	s3 =	sld [smem:$0x3FFE];
	_ =	sdelay $0x1  }
0x8a: {  	s1 =	srdreg.scid  }
0x8b: {  	s0 =	sand.u32 $0x1, s1  }
0x8c: {  	s16 =	sshll.u32 s0, $0xA;
	s2 =	sadd.s32 s3, s2  }
0x8d: {  	s2 =	sadd.s32 s2, s16  }
0x8e: {  	[smem:$0x3FBF] =	sst s2  }
0x8f: {  	_ = 	snop  }
0x90: {  	(tm) =	ssettm $0x1  }
0x91: {  	s17 =	sld [smem:$0x3FFB];
	_ =	sdelay $0x3  }
0x92: {  	_ =	strace s17  }
0x93: {  	s2 =	sld [smem:$0x3FFC];
	_ =	sdelay $0x3  }
0x94: {  	_ =	strace s2  }
0x95: {  	s2 =	sld [smem:$0x3FFD];
	_ =	sdelay $0x3  }
0x96: {  	_ =	strace s2  }
0x97: {  	_ =	strace $0x8FFFFFFF  }
0x98: {  	s18 =	sld [smem:$0x3FDB];
	_ =	sdelay $0x1  }
0x99: {  	s19 =	simm.s32 $_scs_section_size  }
0x9a: {  	s4 =	simm.s32 $_size__tile_overlayer_lowered;
	s5 =	simm.s32 $_tile_overlayer_lowered  }
0x9b: {  	s22 =	simm.s32 $0x1BFF;
	s21 =	sshll.u32 s5, $0x1;
	s2 =	sadd.s32 s19, s18  }
0x9c: {  	s6 =	simm.s32 $0x0;
	s20 =	sshll.u32 s4, $0x1;
	s4 =	sadd.s32 s21, s2  }
0x9d: {  	[timem:s6], [sflag:s22] =	dma.local [hbm:s4], s20  }
0x9e: {  	_ =	swait.ge [sflag:s22], s20  }
0x9f: {  	s3 =	ssub.s32 $0x0, s20;
	[sflag:s22] =	ssyncset.done $0x0  }
0xa0: {  	[sflag:s22] =	ssyncadd.s32 s3;
	_ =	sdelay $0x1  }
0xa1: {  	s23 =	simm.s32 $0x1B8B  }
0xa2: {  	_ =	swait.ge [sflag:s23], $0x1  }
0xa3: {  	[sflag:s23] =	ssyncset.done $0x0  }
0xa4: {  	s25 =	simm.s32 $0x1B8E;
	s24 =	sld [smem:$0x3FFE];
	[sflag:s23] =	ssyncadd.s32 $0xFFFFFFFF  }
0xa5: {  	s26 =	simm.s32 $execute0_lowered;
	[smem:$0x3FD2] =	sst s25  }
0xa6: {  	s4 =	sshll.u32 s26, $0x1;
	_ =	strace $0x8000004C;
	[dreg:$0x1] =	wrdreg $0xFFFFFFFF  }
0xa7: {  	s28 =	simm.s32 $_size_execute0_lowered;
	s2 =	sadd.s32 s2, s4;
	[dreg:$0x0] =	wrdreg $0x0  }
0xa8: {  	s4 =	sshll.u32 s28, $0x1;
	[dreg:$0x2] =	wrdreg s2  }
0xa9: {  	[dreg:$0x3] =	wrdreg s4  }
0xaa: {  	[dreg:$0x4] =	wrdreg $0xC0  }
0xab: {  	_ =	task [dreg:s6], $0x5FFFF  }
0xac: {  	[dreg:$0x1] =	wrdreg $0xFFFFFFFF  }
0xad: {  	[dreg:$0x0] =	wrdreg $0x60  }
0xae: {  	[dreg:$0x2] =	wrdreg s24  }
0xaf: {  	[dreg:$0x3] =	wrdreg $0x70000  }
0xb0: {  	[dreg:$0x4] =	wrdreg $0x97800  }
0xb1: {  	[dreg:$0x5] =	wrdreg $0x9  }
0xb2: {  	_ =	task.clear_ibuf [dreg:s6], $0x6FFFF;
	_ =	strace $0x9000004C  }
0xb3: {  	s29 =	simm.s32 $0x9;
	_ =	strace $0x8000004E  }
0xb4: {  	_ =	swait.ge [sflag:s29], $0x1  }
0xb5: {  	[sflag:s29] =	ssyncadd.s32 $0xFFFFFFFF  }
0xb6: {  	_ =	strace $0x9000004E  }
0xb7: {  	_ =	sfence  }
0xb8: {  	s30 =	sld [smem:$0x0];
	_ =	sdelay $0x2  }
0xb9: {  	s31 =	sshll.u32 s1, $0xD;
	s1 =	sshrl.u32 s1, $0x2  }
0xba: {  	s3 =	sand.u32 $0x4000, s31;
	s1 =	sadd.s32 s1, s30  }
0xbb: {  	s0 =	sor.u32 s3, s0;
	s1 =	sshll.u32 s1, $0x11  }
0xbc: {  	s0 =	sor.u32 s1, s0  }
0xbd: {  	s0 =	sadd.s32 $0x8F2B, s0  }
0xbe: {  	[sflag:s0] =	ssyncadd.remote.s32 $0x1  }
0xbf: {  	_ =	sfence.sel $0xFFFF  }
0xc0: {  	[dreg:$0x0] =	wrdreg $0xFFFFFFFF;
	(pc) =	sbr.abs _section_cstart, $3  }
0xc1: {  	[dreg:$0x1] =	wrdreg $0xFFFFFFFF  }
0xc2: {  	_ =	task.clear_ibuf [dreg:s6], $0x2FFFF;
	_ =	strace $0x9FFFFFFF  }
0xc3: {  	(tm) =	ssettm $0x7FFFFFFF  }
tec
execute0_lowered:
.L_overlay_start_1:
0x0: {  	(tag) =	ssettag $0x1  }
0x1: {  	s5 =	rddreg [dreg:$0x0]  }
0x2: {  	s2 =	rddreg [dreg:$0x1]  }
0x3: {  	s3 =	rddreg [dreg:$0x2]  }
0x4: {  	s0 =	rddreg [dreg:$0x3]  }
0x5: {  	s1 =	stileid.u32;
	s4 =	simm.s32 $0x0;
	s6 =	srdreg.scid  }
0x6: {  	s16 =	simm.s32 $0x5000;
	s19 =	simm.s32 $0x100;
	s20 =	simm.s32 $0x6000  }
0x7: {  	s21 =	simm.s32 $0x1;
	s22 =	simm.s32 $0x2;
	s23 =	simm.s32 $0x3  }
0x8: {  	s24 =	simm.s32 $0x4;
	s28 =	simm.s32 $0x0;
	s12 =	smul.u32 $0x2780, s1  }
0x9: {  	[smem:$0x7FF] =	sst s4;
	s7 =	sand.u32 $0x1, s6;
	s13 =	smul.u32 $0x9E00, s1  }
0xa: {  	s8 =	sshll.u32 s1, $0x1;
	s17 =	sshll.u32 s1, $0x6;
	s9 =	smul.u32 $0x27800, s7  }
0xb: {  	_ =	strace $0x8000004D;
	s26 =	sor.u32 s7, s8;
	s30 =	ssub.s32 $0x2, s7  }
0xc: {  	p0 =	seq.s32 s7, $0x1;
	s17 =	sor.u32 $0x1C05, s17;
	s25 =	sshrl.u32 s12, $0x3  }
0xd: {  	s6 =	smul.u32 $0x500, s26;
	s11 =	sshrl.u32 s30, $0x1;
	s31 =	sshrl.u32 s13, $0x2  }
0xe: {  	s7 =	sadd.s32 s12, s2;
	s18 =	sadd.s32 s12, s3;
	s26 =	simm.s32 $0x4F00  }
0xf: {  	s10 =	sadd.s32 s25, s5;
	s29 =	sadd.s32 s12, s9;
	s15 =	ssub.s32 s30, s11  }
0x10: {  	s18 =	sshrl.u32 s18, $0x3;
	s25 =	simm.s32 $0x4E00;
	s8 =	sshrl.u32 s29, $0x3  }
0x11: {  	s6 =	sadd.s32 s6, s5;
	s9 =	sadd.s32 $0x15E00, s10;
	s13 =	smax.u32 s15, $0x1  }
0x12: {  	s15 =	simm.s32 $0x2800;
	s14 =	sadd.s32 s8, s5;
	s8 =	sadd.s32 s31, s2  }
0x13: {  	s5 =	sadd.s32 $0xBE00, s6;
	s6 =	sadd.s32 $0xE00, s6;
	s10 =	sadd.s32 $0x1000, s8  }
0x14: {  	v0 =	vimm.f32 $0.0e+00;
	s11 =	sadd.s32 $0x2000, s8;
	s12 =	sadd.s32 $0x1AE00, s14;
	s14 =	simm.s32 $0x5  }
.LBB2_1:
0x15: {  	[tilespmem:s4], [sflag:$0x5] =	stream.linear.gather [hbm4b:s5+s4], $0x2800, $0x38;
	[tilespmem:$0xBF00] =	vst v63  }
0x16: {  	_ =	swait.ge [sflag:s14], $0x2800  }
0x17: {  	[sflag:s14] =	ssyncset.done $0x0  }
.Ltmp0:
0x18: {  	[sflag:s14] =	ssyncadd.s32 $0xFFFFD800;
	(pc) =	sbr.rel @!p0 .LBB2_2-.Ltmp0, $4  }
0x19: {  	[tilespmem:s15], [sflag:$0x5] =	stream.linear.gather [hbm4b:s6+s4], $0x2800, $0x38;
	[tilespmem:$0xBF00] =	vst v63  }
0x1a: {  	_ =	swait.ge [sflag:s14], $0x2800  }
0x1b: {  	[sflag:s14] =	ssyncset.done $0x0  }
0x1c: {  	[sflag:s14] =	ssyncadd.s32 $0xFFFFD800  }
0x1d: {  	s29 =	simm.s32 $0x40;
	s30 =	simm.s32 $0x0  }
.LBB2_4:
0x1e: {  	p1 =	sne.s32 s29, $0x3FC0;
	[tilespmem:s30+$0x5000] =	vst v0;
	s30 =	smov.u32 s29;
	s29 =	sadd.s32 $0x40, s29  }
.Ltmp1:
0x1f: {  	(pc) =	sbr.rel @p1 .LBB2_4-.Ltmp1, $2  }
0x20: {  	_ =	sdelay $0x2  }
0x21: {  	s30 =	sshra.s32 s30, $0x2  }
0x22: {  	[tilespmem:s30+$0x5000] =	vst v0  }
0x23: {  	[spmem:s8] =	stream.linear.scatter [tilespmem:s16], [sflag:$0x5], $0x1000, $0x38;
	[tilespmem:$0xBF00] =	vst v63  }
0x24: {  	_ =	swait.ge [sflag:s14], $0x1000  }
0x25: {  	[sflag:s14] =	ssyncset.done $0x0  }
0x26: {  	[sflag:s14] =	ssyncadd.s32 $0xFFFFF000  }
0x27: {  	[spmem:s10] =	stream.linear.scatter [tilespmem:s16], [sflag:$0x5], $0x1000, $0x38;
	[tilespmem:$0xBF00] =	vst v63  }
0x28: {  	_ =	swait.ge [sflag:s14], $0x1000  }
0x29: {  	[sflag:s14] =	ssyncset.done $0x0  }
.Ltmp2:
0x2a: {  	[sflag:s14] =	ssyncadd.s32 $0xFFFFF000;
	(pc) =	sbr.rel .LBB2_6-.Ltmp2, $4  }
0x2b: {  	[spmem:s11] =	stream.linear.scatter [tilespmem:s16], [sflag:$0x5], $0x780, $0x38;
	[tilespmem:$0xBF00] =	vst v63  }
0x2c: {  	_ =	swait.ge [sflag:s14], $0x780  }
0x2d: {  	[sflag:s14] =	ssyncset.done $0x0  }
0x2e: {  	[sflag:s14] =	ssyncadd.s32 $0xFFFFF880  }
.LBB2_2:
0x2f: {  	s29 =	sshrl.u32 s7, $0x3  }
0x30: {  	[spmem:s29], [sflag:s17] =	dma.local [hbm:s9], $0x4F0  }
0x31: {  	_ =	swait.ge [sflag:s14], $0x4F0  }
0x32: {  	[sflag:s14] =	ssyncset.done $0x0  }
0x33: {  	[sflag:s14] =	ssyncadd.s32 $0xFFFFFB10  }
.LBB2_6:
0x34: {  	[spmem:s18], [sflag:s17] =	dma.local [hbm:s9], $0x4F0  }
0x35: {  	_ =	swait.ge [sflag:s14], $0x4F0  }
0x36: {  	[sflag:s14] =	ssyncset.done $0x0  }
0x37: {  	[sflag:s14] =	ssyncadd.s32 $0xFFFFFB10  }
0x38: {  	s29 =	simm.s32 $0x0;
	[bflag:$0x0] =	sbarrier.arrive $0xFFFF  }
0x39: {  	[tilespmem:s16], [sflag:$0x1] =	stream.indirect.gather [spmem:s3], $0x10, s29, s19, $0xb8;
	[tilespmem:$0xBF00] =	vst v63  }
0x3a: {  	_ = 	snop  }
0x3b: {  	[tilespmem:s20], [sflag:$0x2] =	stream.indirect.gather [spmem:s3], $0x10, s19, s19, $0xb8;
	[tilespmem:$0xBF00] =	vst v63  }
0x3c: {  	_ =	swait.ge [sflag:s21], $0x1000  }
0x3d: {  	[sflag:s21] =	ssyncset.done $0x0  }
0x3e: {  	s29 =	simm.s32 $0x2800;
	[sflag:s21] =	ssyncadd.s32 $0xFFFFF000  }
0x3f: {  	[spmem:s2] =	stream.indirect.scatter.add.f32 [tilespmem:s16], [sflag:$0x3], $0x10, s29, s19, $0xb8;
	[tilespmem:$0xBF00] =	vst v63  }
0x40: {  	_ =	swait.ge [sflag:s22], $0x1000  }
0x41: {  	[sflag:s22] =	ssyncset.done $0x0  }
0x42: {  	s29 =	simm.s32 $0x2900;
	[sflag:s22] =	ssyncadd.s32 $0xFFFFF000  }
0x43: {  	[spmem:s2] =	stream.indirect.scatter.add.f32 [tilespmem:s20], [sflag:$0x4], $0x10, s29, s19, $0xb8;
	[tilespmem:$0xBF00] =	vst v63  }
0x44: {  	_ =	swait.ge [sflag:s23], $0x1000  }
0x45: {  	[sflag:s23] =	ssyncset.done $0x0  }
0x46: {  	s29 =	simm.s32 $0x200;
	[sflag:s23] =	ssyncadd.s32 $0xFFFFF000  }
0x47: {  	[tilespmem:s16], [sflag:$0x1] =	stream.indirect.gather [spmem:s3], $0x10, s29, s19, $0xb8;
	[tilespmem:$0xBF00] =	vst v63  }
0x48: {  	_ =	swait.ge [sflag:s24], $0x1000  }
0x49: {  	[sflag:s24] =	ssyncset.done $0x0  }
0x4a: {  	s30 =	simm.s32 $0x300;
	s29 =	simm.s32 $0x800;
	[sflag:s24] =	ssyncadd.s32 $0xFFFFF000  }
.LBB2_7:
0x4b: {  	[tilespmem:s20], [sflag:$0x2] =	stream.indirect.gather [spmem:s3], $0x10, s30, s19, $0xb8;
	[tilespmem:$0xBF00] =	vst v63  }
0x4c: {  	s30 =	smov.u32 s29  }
0x4d: {  	p1 =	sne.s32 s29, $0x9000;
	s29 =	sadd.s32 $0x800, s29;
	_ =	swait.ge [sflag:s21], $0x1000  }
0x4e: {  	s30 =	sshra.s32 s30, $0x2;
	[sflag:s21] =	ssyncset.done $0x0  }
0x4f: {  	s31 =	sadd.s32 $0x2800, s30;
	[sflag:s21] =	ssyncadd.s32 $0xFFFFF000  }
0x50: {  	[spmem:s2] =	stream.indirect.scatter.add.f32 [tilespmem:s16], [sflag:$0x3], $0x10, s31, s19, $0xb8;
	[tilespmem:$0xBF00] =	vst v63  }
0x51: {  	_ =	swait.ge [sflag:s22], $0x1000  }
0x52: {  	[sflag:s22] =	ssyncset.done $0x0  }
0x53: {  	s31 =	sadd.s32 $0x2900, s30;
	[sflag:s22] =	ssyncadd.s32 $0xFFFFF000  }
0x54: {  	[spmem:s2] =	stream.indirect.scatter.add.f32 [tilespmem:s20], [sflag:$0x4], $0x10, s31, s19, $0xb8;
	[tilespmem:$0xBF00] =	vst v63  }
0x55: {  	_ =	swait.ge [sflag:s23], $0x1000  }
0x56: {  	[sflag:s23] =	ssyncset.done $0x0  }
.Ltmp3:
0x57: {  	s31 =	sadd.s32 $0x200, s30;
	[sflag:s23] =	ssyncadd.s32 $0xFFFFF000;
	(pc) =	sbr.rel @p1 .LBB2_7-.Ltmp3, $4  }
0x58: {  	[tilespmem:s16], [sflag:$0x1] =	stream.indirect.gather [spmem:s3], $0x10, s31, s19, $0xb8;
	[tilespmem:$0xBF00] =	vst v63  }
0x59: {  	_ =	swait.ge [sflag:s24], $0x1000  }
0x5a: {  	[sflag:s24] =	ssyncset.done $0x0  }
0x5b: {  	s30 =	sadd.s32 $0x300, s30;
	[sflag:s24] =	ssyncadd.s32 $0xFFFFF000  }
0x5c: {  	[tilespmem:s20], [sflag:$0x2] =	stream.indirect.gather [spmem:s3], $0x10, s30, s19, $0xb8;
	[tilespmem:$0xBF00] =	vst v63  }
0x5d: {  	_ =	swait.ge [sflag:s21], $0x1000  }
0x5e: {  	[sflag:s21] =	ssyncset.done $0x0  }
0x5f: {  	[sflag:s21] =	ssyncadd.s32 $0xFFFFF000  }
0x60: {  	[spmem:s2] =	stream.indirect.scatter.add.f32 [tilespmem:s16], [sflag:$0x3], $0x10, s25, s19, $0xb8;
	[tilespmem:$0xBF00] =	vst v63  }
0x61: {  	_ =	swait.ge [sflag:s22], $0x1000  }
0x62: {  	[sflag:s22] =	ssyncset.done $0x0  }
0x63: {  	[sflag:s22] =	ssyncadd.s32 $0xFFFFF000  }
0x64: {  	[spmem:s2] =	stream.indirect.scatter.add.f32 [tilespmem:s20], [sflag:$0x4], $0x10, s26, s19, $0xb8;
	[tilespmem:$0xBF00] =	vst v63  }
0x65: {  	_ =	swait.ge [sflag:s23], $0x1000  }
0x66: {  	[sflag:s23] =	ssyncset.done $0x0  }
0x67: {  	[sflag:s23] =	ssyncadd.s32 $0xFFFFF000  }
0x68: {  	_ =	swait.ge [sflag:s24], $0x1000  }
0x69: {  	s28 =	sadd.s32 $0x1, s28;
	[sflag:s24] =	ssyncset.done $0x0  }
0x6a: {  	p1 =	sne.s32 s28, s13;
	[sflag:s24] =	ssyncadd.s32 $0xFFFFF000  }
.Ltmp4:
0x6b: {  	s29 =	sshrl.u32 s7, $0x3;
	[bflag:$0x0] =	sbarrier.arrive $0xFFFF;
	(pc) =	sbr.rel @p1 .LBB2_1-.Ltmp4, $4  }
0x6c: {  	[hbm:s12], [sflag:s17] =	dma.local [spmem:s29], $0x4F0  }
0x6d: {  	_ =	swait.ge [sflag:s14], $0x4F0  }
0x6e: {  	[sflag:s14] =	ssyncset.done $0x0  }
0x6f: {  	[sflag:s14] =	ssyncadd.s32 $0xFFFFFB10  }
0x70: {  	_ =	sfence.sel $0x180000  }
0x71: {  	[bflag:$0x0] =	sbarrier.arrive $0xFFFF  }
0x72: {  	p0 =	sne.s32 s1, $0x0;
	_ =	strace $0x9000004D  }
0x73: {  	s0 =	sadd.s32 @!p0 $0x100000, s0;
	[bflag:$0x2] =	sbarrier.arrive $0xFFFF  }
0x74: {  	[sflag:s0] =	ssyncadd.tile.s32 @!p0 $0x1;
	_ =	shalt  }
.Lfunc_end2:
_tile_overlayer_lowered:
.L_overlay_start_2:
0x75: {  	(tag) =	ssettag $0x2  }
0x76: {  	s0 =	rddreg [dreg:$0x0];
	s2 =	stileid.u32  }
0x77: {  	s1 =	rddreg [dreg:$0x1];
	p0 =	sne.s32 s2, $0x0  }
0x78: {  	s3 =	rddreg [dreg:$0x2];
	[bflag:$0x3] =	sbarrier.arrive $0xFFFF;
	s2 =	simm.s32 @!p0 $0x1C05  }
0x79: {  	[timem:s3], [sflag:s2] =	dma.local @!p0 [hbm:s0], s1  }
0x7a: {  	s0 =	simm.s32 @!p0 $0x5  }
0x7b: {  	_ =	swait.ge @!p0 [sflag:s0], s1  }
0x7c: {  	s1 =	ssub.s32 @!p0 $0x0, s1;
	[sflag:s0] =	ssyncset.done @!p0 $0x0  }
0x7d: {  	[sflag:s0] =	ssyncadd.s32 @!p0 s1  }
0x7e: {  	[bflag:$0x3] =	sbarrier.arrive $0xFFFF  }
0x7f: {  	_ =	shalt  }

// kernel: kernel.9.cloned.1.call-start
scs
__scs_entry_jumppad:
0x0: {  	(pc) =	sbr.rel $0x88, $3  }
0x1: {  	(tag) =	ssettag $0x0;
	lr =	simm.s32 $0x1  }
0x2: {  	[smem:$0x3F98] =	sst lr;
	_ =	strace $0xD0000000  }
0x3: {  	_ = 	snop  }
0x4: {  	_ = 	snop  }
0x5: {  	_ = 	snop  }
0x6: {  	_ = 	snop  }
0x7: {  	_ = 	snop  }
__scs_overlays_trampoline_lowered:
0x8: {  	[smem:$0x3FA7] =	sst s0  }
0x9: {  	[smem:$0x3FA8] =	sst s1  }
0xa: {  	[smem:$0x3FA9] =	sst s2  }
0xb: {  	[smem:$0x3FAA] =	sst s3  }
0xc: {  	[smem:$0x3FAB] =	sst s4  }
0xd: {  	[smem:$0x3FAC] =	sst s5  }
0xe: {  	[smem:$0x3FAD] =	sst s6  }
0xf: {  	[smem:$0x3FAE] =	sst s7  }
0x10: {  	[smem:$0x3FAF] =	sst s8  }
0x11: {  	[smem:$0x3FB0] =	sst s9;
	s0 =	simm.s32 @!p0 $0x0  }
0x12: {  	s1 =	sld [smem:$0x3F96];
	s0 =	simm.s32 @p0 $0x1  }
0x13: {  	[smem:$0x3FB1] =	sst s0;
	s0 =	simm.s32 @!p1 $0x0  }
0x14: {  	s2 =	sld [smem:$0x3F95];
	s0 =	simm.s32 @p1 $0x1  }
0x15: {  	[smem:$0x3FB2] =	sst s0;
	s0 =	simm.s32 @!p2 $0x0  }
0x16: {  	s3 =	sld [smem:$0x3FDB];
	s0 =	simm.s32 @p2 $0x1  }
0x17: {  	s4 =	simm.s32 $0x1BF5;
	[smem:$0x3FB4] =	sst s0  }
0x18: {  	s0 =	sld [smem:$0x3F97];
	_ =	swait.ge [sflag:s4], $0x0  }
0x19: {  	s7 =	sld [smem:$0x3F98]  }
0x1a: {  	s8 =	sadd.s32 $0xFFFFE003, lr  }
0x1b: {  	s9 =	sadd.s32 $0xFFFFFEF7, lr;
	s5 =	simm.s32 $0xFFFFFFFF;
	p2 =	slt.u32 s8, $0xFFFFF086  }
0x1c: {  	p1 =	slt.u32 s9, $0xF7A;
	s5 =	simm.s32 @!p2 $0x0  }
0x1d: {  	s5 =	simm.s32 @p1 $0x1;
	p0 =	seq.s32 s7, s2  }
0x1e: {  	s7 =	smul.u32 @!p0 $0xF7A, s2;
	p2 =	seq.s32 @!p0 s5, $0x0  }
0x1f: {  	s9 =	smul.u32 $0xF7A, s1;
	s8 =	simm.s32 @!p0 $0x1BF5;
	p2 =	por !p2, p0  }
0x20: {  	[sflag:s8] =	ssyncset.s32 @!p0 $0xFFFFF086;
	s6 =	sadd.s32 @!p0 s3, s7;
	s7 =	simm.s32 @!p0 $0x108  }
0x21: {  	s3 =	sadd.s32 s3, s9;
	s6 =	sadd.s32 @!p0 $0x88, s6;
	s7 =	simm.s32 @p2 $0x1082  }
0x22: {  	[simem:s7], [sflag:s8] =	dma.local @!p0 [hbm:s6], $0xF7A  }
0x23: {  	s9 =	sor.u32 $0xD0000000, s2;
	s6 =	simm.s32 $0x108;
	_ =	swait.ge @!p0 [sflag:s8], $0x0  }
0x24: {  	s3 =	sadd.s32 $0x88, s3;
	s6 =	simm.s32 @!p1 $0x1082;
	[sflag:s4] =	ssyncset.s32 $0xFFFFF086  }
0x25: {  	[simem:s6], [sflag:s4] =	dma.local [hbm:s3], $0xF7A  }
0x26: {  	[smem:$0x3F98] =	sst s1;
	(tag) =	ssettag s2;
	_ =	strace s9  }
0x27: {  	s1 =	sld [smem:$0x3FA8]  }
0x28: {  	s2 =	sld [smem:$0x3FA9]  }
0x29: {  	s4 =	sld [smem:$0x3FAB]  }
0x2a: {  	p0 =	seq.s32 s5, $0x0;
	s5 =	sld [smem:$0x3FAC]  }
0x2b: {  	s6 =	sld [smem:$0x3FAD]  }
0x2c: {  	s7 =	sld [smem:$0x3FAE]  }
0x2d: {  	s3 =	simm.s32 $0x108;
	s8 =	sld [smem:$0x3FAF]  }
0x2e: {  	s3 =	simm.s32 @!p0 $0x1082;
	s9 =	sld [smem:$0x3FB0]  }
0x2f: {  	lr =	sadd.s32 s0, s3;
	s0 =	sld [smem:$0x3FA7]  }
0x30: {  	s3 =	sld [smem:$0x3FAA]  }
0x31: {  	[smem:$0x3FB3] =	sst s10  }
0x32: {  	s10 =	sld [smem:$0x3FB1];
	_ =	sdelay $0x3  }
0x33: {  	p0 =	seq.s32 s10, $0x1;
	s10 =	sld [smem:$0x3FB3];
	_ =	sdelay $0x3  }
0x34: {  	[smem:$0x3FB3] =	sst s10  }
0x35: {  	s10 =	sld [smem:$0x3FB2];
	_ =	sdelay $0x3  }
0x36: {  	p1 =	seq.s32 s10, $0x1;
	s10 =	sld [smem:$0x3FB3];
	_ =	sdelay $0x3  }
0x37: {  	[smem:$0x3FB3] =	sst s10  }
0x38: {  	s10 =	sld [smem:$0x3FB4]  }
0x39: {  	_ = 	snop;
	(pc) =	sbr.ind lr, $3  }
0x3a: {  	_ = 	snop  }
0x3b: {  	_ = 	snop  }
0x3c: {  	p2 =	seq.s32 s10, $0x1;
	s10 =	sld [smem:$0x3FB3]  }
0x3d: {  	_ =	shalt  }
0x3e: {  	_ =	shalt  }
0x3f: {  	_ =	shalt  }
0x40: {  	_ =	shalt  }
0x41: {  	_ =	shalt  }
0x42: {  	_ =	shalt  }
0x43: {  	_ =	shalt  }
0x44: {  	_ =	shalt  }
0x45: {  	_ =	shalt  }
0x46: {  	_ =	shalt  }
0x47: {  	_ =	shalt  }
0x48: {  	_ =	shalt  }
0x49: {  	_ =	shalt  }
0x4a: {  	_ =	shalt  }
0x4b: {  	_ =	shalt  }
0x4c: {  	_ =	shalt  }
0x4d: {  	_ =	shalt  }
0x4e: {  	_ =	shalt  }
0x4f: {  	_ =	shalt  }
0x50: {  	_ =	shalt  }
0x51: {  	_ =	shalt  }
0x52: {  	_ =	shalt  }
0x53: {  	_ =	shalt  }
0x54: {  	_ =	shalt  }
0x55: {  	_ =	shalt  }
0x56: {  	_ =	shalt  }
0x57: {  	_ =	shalt  }
0x58: {  	_ =	shalt  }
0x59: {  	_ =	shalt  }
0x5a: {  	_ =	shalt  }
0x5b: {  	_ =	shalt  }
0x5c: {  	_ =	shalt  }
0x5d: {  	_ =	shalt  }
0x5e: {  	_ =	shalt  }
0x5f: {  	_ =	shalt  }
0x60: {  	_ =	shalt  }
0x61: {  	_ =	shalt  }
0x62: {  	_ =	shalt  }
0x63: {  	_ =	shalt  }
0x64: {  	_ =	shalt  }
0x65: {  	_ =	shalt  }
0x66: {  	_ =	shalt  }
0x67: {  	_ =	shalt  }
0x68: {  	_ =	shalt  }
0x69: {  	_ =	shalt  }
0x6a: {  	_ =	shalt  }
0x6b: {  	_ =	shalt  }
0x6c: {  	_ =	shalt  }
0x6d: {  	_ =	shalt  }
0x6e: {  	_ =	shalt  }
0x6f: {  	_ =	shalt  }
0x70: {  	_ =	shalt  }
0x71: {  	_ =	shalt  }
0x72: {  	_ =	shalt  }
0x73: {  	_ =	shalt  }
0x74: {  	_ =	shalt  }
0x75: {  	_ =	shalt  }
0x76: {  	_ =	shalt  }
0x77: {  	_ =	shalt  }
0x78: {  	_ =	shalt  }
0x79: {  	_ =	shalt  }
0x7a: {  	_ =	shalt  }
0x7b: {  	_ =	shalt  }
0x7c: {  	_ =	shalt  }
0x7d: {  	_ =	shalt  }
0x7e: {  	_ =	shalt  }
0x7f: {  	_ =	shalt  }
0x80: {  	_ =	shalt  }
0x81: {  	_ =	shalt  }
0x82: {  	_ =	shalt  }
0x83: {  	_ =	shalt  }
0x84: {  	_ =	shalt  }
0x85: {  	_ =	shalt  }
0x86: {  	_ =	shalt  }
0x87: {  	_ =	shalt  }
.Lfunc_end0:
.L_simem_size_0:
called_computation_lowered:
.L_overlay_start_0:
0x88: {  	s2 =	sld [smem:$0x3FD9]  }
0x89: {  	s3 =	sld [smem:$0x3FFE];
	_ =	sdelay $0x1  }
0x8a: {  	s1 =	srdreg.scid  }
0x8b: {  	s0 =	sand.u32 $0x1, s1  }
0x8c: {  	s16 =	sshll.u32 s0, $0xA;
	s2 =	sadd.s32 s3, s2  }
0x8d: {  	s2 =	sadd.s32 s2, s16  }
0x8e: {  	[smem:$0x3FBF] =	sst s2  }
0x8f: {  	_ = 	snop  }
0x90: {  	(tm) =	ssettm $0x1  }
0x91: {  	s17 =	sld [smem:$0x3FFB];
	_ =	sdelay $0x3  }
0x92: {  	_ =	strace s17  }
0x93: {  	s2 =	sld [smem:$0x3FFC];
	_ =	sdelay $0x3  }
0x94: {  	_ =	strace s2  }
0x95: {  	s2 =	sld [smem:$0x3FFD];
	_ =	sdelay $0x3  }
0x96: {  	_ =	strace s2  }
0x97: {  	_ =	strace $0x8FFFFFFF  }
0x98: {  	s18 =	sld [smem:$0x3FDB];
	_ =	sdelay $0x1  }
0x99: {  	s19 =	simm.s32 $_scs_section_size  }
0x9a: {  	s4 =	simm.s32 $_size__tile_overlayer_lowered;
	s5 =	simm.s32 $_tile_overlayer_lowered  }
0x9b: {  	s22 =	simm.s32 $0x1BFF;
	s21 =	sshll.u32 s5, $0x1;
	s2 =	sadd.s32 s19, s18  }
0x9c: {  	s6 =	simm.s32 $0x0;
	s20 =	sshll.u32 s4, $0x1;
	s4 =	sadd.s32 s21, s2  }
0x9d: {  	[timem:s6], [sflag:s22] =	dma.local [hbm:s4], s20  }
0x9e: {  	_ =	swait.ge [sflag:s22], s20  }
0x9f: {  	s3 =	ssub.s32 $0x0, s20;
	[sflag:s22] =	ssyncset.done $0x0  }
0xa0: {  	[sflag:s22] =	ssyncadd.s32 s3;
	_ =	sdelay $0x1  }
0xa1: {  	s23 =	simm.s32 $0x1B8B  }
0xa2: {  	_ =	swait.ge [sflag:s23], $0x1  }
0xa3: {  	[sflag:s23] =	ssyncset.done $0x0  }
0xa4: {  	s25 =	simm.s32 $0x1B8E;
	s24 =	sld [smem:$0x3FFE];
	[sflag:s23] =	ssyncadd.s32 $0xFFFFFFFF  }
0xa5: {  	s26 =	simm.s32 $execute0_lowered;
	[smem:$0x3FD2] =	sst s25  }
0xa6: {  	s4 =	sshll.u32 s26, $0x1;
	_ =	strace $0x80000046;
	[dreg:$0x1] =	wrdreg $0xFFFFFFFF  }
0xa7: {  	s28 =	simm.s32 $_size_execute0_lowered;
	s2 =	sadd.s32 s2, s4;
	[dreg:$0x0] =	wrdreg $0x0  }
0xa8: {  	s4 =	sshll.u32 s28, $0x1;
	[dreg:$0x2] =	wrdreg s2  }
0xa9: {  	[dreg:$0x3] =	wrdreg s4  }
0xaa: {  	[dreg:$0x4] =	wrdreg $0xC0  }
0xab: {  	_ =	task [dreg:s6], $0x5FFFF  }
0xac: {  	[dreg:$0x1] =	wrdreg $0xFFFFFFFF  }
0xad: {  	[dreg:$0x0] =	wrdreg $0x60  }
0xae: {  	[dreg:$0x2] =	wrdreg s24  }
0xaf: {  	[dreg:$0x3] =	wrdreg $0x2C780  }
0xb0: {  	[dreg:$0x4] =	wrdreg $0x9  }
0xb1: {  	_ =	task.clear_ibuf [dreg:s6], $0x5FFFF;
	_ =	strace $0x90000046  }
0xb2: {  	s29 =	simm.s32 $0x9;
	_ =	strace $0x80000048  }
0xb3: {  	_ =	swait.ge [sflag:s29], $0x1  }
0xb4: {  	[sflag:s29] =	ssyncadd.s32 $0xFFFFFFFF  }
0xb5: {  	_ =	strace $0x90000048  }
0xb6: {  	_ =	sfence  }
0xb7: {  	s30 =	sld [smem:$0x0];
	_ =	sdelay $0x2  }
0xb8: {  	s31 =	sshll.u32 s1, $0xD;
	s1 =	sshrl.u32 s1, $0x2  }
0xb9: {  	s3 =	sand.u32 $0x4000, s31;
	s1 =	sadd.s32 s1, s30  }
0xba: {  	s0 =	sor.u32 s3, s0;
	s1 =	sshll.u32 s1, $0x11  }
0xbb: {  	s0 =	sor.u32 s1, s0  }
0xbc: {  	s0 =	sadd.s32 $0x8F2B, s0  }
0xbd: {  	[sflag:s0] =	ssyncadd.remote.s32 $0x1  }
0xbe: {  	_ =	sfence.sel $0xFFFF  }
0xbf: {  	[dreg:$0x0] =	wrdreg $0xFFFFFFFF;
	(pc) =	sbr.abs _section_cstart, $3  }
0xc0: {  	[dreg:$0x1] =	wrdreg $0xFFFFFFFF  }
0xc1: {  	_ =	task.clear_ibuf [dreg:s6], $0x2FFFF;
	_ =	strace $0x9FFFFFFF  }
0xc2: {  	(tm) =	ssettm $0x7FFFFFFF  }
0xc3: {  	_ =	shalt  }
tec
execute0_lowered:
.L_overlay_start_1:
0x0: {  	(tag) =	ssettag $0x1  }
0x1: {  	s0 =	stileid.u32;
	s1 =	srdreg.scid  }
0x2: {  	s31 =	sand.u32 $0x1, s1;
	s25 =	sshll.u32 s0, $0x1  }
0x3: {  	s1 =	sor.u32 s31, s25  }
0x4: {  	s1 =	smul.u32 $0x500, s1  }
0x5: {  	s5 =	rddreg [dreg:$0x0]  }
0x6: {  	s6 =	rddreg [dreg:$0x1];
	s2 =	simm.s32 $0x0;
	s1 =	sadd.s32 s1, s5  }
0x7: {  	[smem:$0x7FF] =	sst s2;
	s1 =	sadd.s32 $0xE00, s1  }
0x8: {  	_ =	strace $0x80000047;
	[dreg:$0x3] =	wrdreg s1  }
0x9: {  	s3 =	simm.s32 $0x2;
	s30 =	smul.u32 $0x278, s0;
	s4 =	rddreg [dreg:$0x3]  }
0xa: {  	[tilespmem:s2], [sflag:$0x2] =	stream.linear.gather [hbm4b:s4+s2], $0x2800, $0x38;
	[tilespmem:$0x2EF0] =	vst v63  }
0xb: {  	s26 =	sshrl.u32 s30, $0x3;
	_ =	swait.ge [sflag:s3], $0x2800  }
0xc: {  	s4 =	sadd.s32 s26, s5;
	[sflag:s3] =	ssyncset.done $0x0  }
0xd: {  	s7 =	sadd.s32 $0xAE00, s4;
	s4 =	simm.s32 $0x2A00;
	[sflag:s3] =	ssyncadd.s32 $0xFFFFD800  }
0xe: {  	[tilespmem:s4], [sflag:$0x2] =	stream.linear.gather [hbm4b:s7+s2], $0x278, $0x38;
	[tilespmem:$0x2EF0] =	vst v63  }
0xf: {  	_ =	swait.ge [sflag:s3], $0x278  }
0x10: {  	[sflag:s3] =	ssyncset.done $0x0  }
0x11: {  	s5 =	sadd.s32 s30, s6;
	[sflag:s3] =	ssyncadd.s32 $0xFFFFFD88  }
0x12: {  	[spmem:s5] =	stream.linear.scatter [tilespmem:s4], [sflag:$0x2], $0x278, $0x38;
	[tilespmem:$0x2EF0] =	vst v63  }
0x13: {  	_ =	swait.ge [sflag:s3], $0x278  }
0x14: {  	[sflag:s3] =	ssyncset.done $0x0  }
0x15: {  	v0 =	vimm.f32 $1.000000000e+00;
	[sflag:s3] =	ssyncadd.s32 $0xFFFFFD88  }
0x16: {  	[tilespmem:$0x29F0] =	vst v0  }
0x17: {  	[tilespmem:$0x29E0] =	vst v0  }
0x18: {  	[tilespmem:$0x29D0] =	vst v0  }
0x19: {  	[tilespmem:$0x29C0] =	vst v0  }
0x1a: {  	[tilespmem:$0x29B0] =	vst v0  }
0x1b: {  	[tilespmem:$0x29A0] =	vst v0  }
0x1c: {  	[tilespmem:$0x2990] =	vst v0  }
0x1d: {  	[tilespmem:$0x2980] =	vst v0  }
0x1e: {  	[tilespmem:$0x2970] =	vst v0  }
0x1f: {  	[tilespmem:$0x2960] =	vst v0  }
0x20: {  	[tilespmem:$0x2950] =	vst v0  }
0x21: {  	[tilespmem:$0x2940] =	vst v0  }
0x22: {  	[tilespmem:$0x2930] =	vst v0  }
0x23: {  	[tilespmem:$0x2920] =	vst v0  }
0x24: {  	[tilespmem:$0x2910] =	vst v0  }
0x25: {  	[tilespmem:$0x2900] =	vst v0  }
0x26: {  	[tilespmem:$0x28F0] =	vst v0  }
0x27: {  	[tilespmem:$0x28E0] =	vst v0  }
0x28: {  	[tilespmem:$0x28D0] =	vst v0  }
0x29: {  	[tilespmem:$0x28C0] =	vst v0  }
0x2a: {  	[tilespmem:$0x28B0] =	vst v0  }
0x2b: {  	[tilespmem:$0x28A0] =	vst v0  }
0x2c: {  	[tilespmem:$0x2890] =	vst v0  }
0x2d: {  	[tilespmem:$0x2880] =	vst v0  }
0x2e: {  	[tilespmem:$0x2870] =	vst v0  }
0x2f: {  	[tilespmem:$0x2860] =	vst v0  }
0x30: {  	[tilespmem:$0x2850] =	vst v0  }
0x31: {  	[tilespmem:$0x2840] =	vst v0  }
0x32: {  	[tilespmem:$0x2830] =	vst v0  }
0x33: {  	[tilespmem:$0x2820] =	vst v0  }
0x34: {  	[tilespmem:$0x2800] =	vst v0  }
0x35: {  	[tilespmem:$0x2810] =	vst v0  }
0x36: {  	s8 =	simm.s32 $0x200;
	s9 =	simm.s32 $0x2800;
	[bflag:$0x0] =	sbarrier.arrive $0xFFFF  }
0x37: {  	[spmem:s6] =	stream.indirect.scatter.add.f32 [tilespmem:s9], [sflag:$0x1], $0x1, s2, s8, $0xb8;
	[tilespmem:$0x2EF0] =	vst v63  }
0x38: {  	_ = 	snop  }
0x39: {  	[spmem:s6] =	stream.indirect.scatter.add.f32 [tilespmem:s9], [sflag:$0x1], $0x1, s8, s8, $0xb8;
	[tilespmem:$0x2EF0] =	vst v63  }
0x3a: {  	s10 =	simm.s32 $0x400  }
0x3b: {  	[spmem:s6] =	stream.indirect.scatter.add.f32 [tilespmem:s9], [sflag:$0x1], $0x1, s10, s8, $0xb8;
	[tilespmem:$0x2EF0] =	vst v63  }
0x3c: {  	s11 =	simm.s32 $0x600  }
0x3d: {  	[spmem:s6] =	stream.indirect.scatter.add.f32 [tilespmem:s9], [sflag:$0x1], $0x1, s11, s8, $0xb8;
	[tilespmem:$0x2EF0] =	vst v63  }
0x3e: {  	s12 =	simm.s32 $0x800  }
0x3f: {  	[spmem:s6] =	stream.indirect.scatter.add.f32 [tilespmem:s9], [sflag:$0x1], $0x1, s12, s8, $0xb8;
	[tilespmem:$0x2EF0] =	vst v63  }
0x40: {  	s13 =	simm.s32 $0xA00  }
0x41: {  	[spmem:s6] =	stream.indirect.scatter.add.f32 [tilespmem:s9], [sflag:$0x1], $0x1, s13, s8, $0xb8;
	[tilespmem:$0x2EF0] =	vst v63  }
0x42: {  	s14 =	simm.s32 $0xC00  }
0x43: {  	[spmem:s6] =	stream.indirect.scatter.add.f32 [tilespmem:s9], [sflag:$0x1], $0x1, s14, s8, $0xb8;
	[tilespmem:$0x2EF0] =	vst v63  }
0x44: {  	s15 =	simm.s32 $0xE00  }
0x45: {  	[spmem:s6] =	stream.indirect.scatter.add.f32 [tilespmem:s9], [sflag:$0x1], $0x1, s15, s8, $0xb8;
	[tilespmem:$0x2EF0] =	vst v63  }
0x46: {  	s16 =	simm.s32 $0x1000  }
0x47: {  	[spmem:s6] =	stream.indirect.scatter.add.f32 [tilespmem:s9], [sflag:$0x1], $0x1, s16, s8, $0xb8;
	[tilespmem:$0x2EF0] =	vst v63  }
0x48: {  	s18 =	simm.s32 $0x1200  }
0x49: {  	[spmem:s6] =	stream.indirect.scatter.add.f32 [tilespmem:s9], [sflag:$0x1], $0x1, s18, s8, $0xb8;
	[tilespmem:$0x2EF0] =	vst v63  }
0x4a: {  	s19 =	simm.s32 $0x1400  }
0x4b: {  	[spmem:s6] =	stream.indirect.scatter.add.f32 [tilespmem:s9], [sflag:$0x1], $0x1, s19, s8, $0xb8;
	[tilespmem:$0x2EF0] =	vst v63  }
0x4c: {  	s20 =	simm.s32 $0x1600  }
0x4d: {  	[spmem:s6] =	stream.indirect.scatter.add.f32 [tilespmem:s9], [sflag:$0x1], $0x1, s20, s8, $0xb8;
	[tilespmem:$0x2EF0] =	vst v63  }
0x4e: {  	s21 =	simm.s32 $0x1800  }
0x4f: {  	[spmem:s6] =	stream.indirect.scatter.add.f32 [tilespmem:s9], [sflag:$0x1], $0x1, s21, s8, $0xb8;
	[tilespmem:$0x2EF0] =	vst v63  }
0x50: {  	s22 =	simm.s32 $0x1A00  }
0x51: {  	[spmem:s6] =	stream.indirect.scatter.add.f32 [tilespmem:s9], [sflag:$0x1], $0x1, s22, s8, $0xb8;
	[tilespmem:$0x2EF0] =	vst v63  }
0x52: {  	s23 =	simm.s32 $0x1C00  }
0x53: {  	[spmem:s6] =	stream.indirect.scatter.add.f32 [tilespmem:s9], [sflag:$0x1], $0x1, s23, s8, $0xb8;
	[tilespmem:$0x2EF0] =	vst v63  }
0x54: {  	s24 =	simm.s32 $0x1E00  }
0x55: {  	[spmem:s6] =	stream.indirect.scatter.add.f32 [tilespmem:s9], [sflag:$0x1], $0x1, s24, s8, $0xb8;
	[tilespmem:$0x2EF0] =	vst v63  }
0x56: {  	s25 =	simm.s32 $0x2000  }
0x57: {  	[spmem:s6] =	stream.indirect.scatter.add.f32 [tilespmem:s9], [sflag:$0x1], $0x1, s25, s8, $0xb8;
	[tilespmem:$0x2EF0] =	vst v63  }
0x58: {  	s26 =	simm.s32 $0x2200  }
0x59: {  	[spmem:s6] =	stream.indirect.scatter.add.f32 [tilespmem:s9], [sflag:$0x1], $0x1, s26, s8, $0xb8;
	[tilespmem:$0x2EF0] =	vst v63  }
0x5a: {  	s28 =	simm.s32 $0x2400  }
0x5b: {  	[spmem:s6] =	stream.indirect.scatter.add.f32 [tilespmem:s9], [sflag:$0x1], $0x1, s28, s8, $0xb8;
	[tilespmem:$0x2EF0] =	vst v63  }
0x5c: {  	s29 =	simm.s32 $0x2600;
	s17 =	simm.s32 $0x1  }
0x5d: {  	[spmem:s6] =	stream.indirect.scatter.add.f32 [tilespmem:s9], [sflag:$0x1], $0x1, s29, s8, $0xb8;
	[tilespmem:$0x2EF0] =	vst v63  }
0x5e: {  	_ =	swait.ge [sflag:s17], $0x200  }
0x5f: {  	[sflag:s17] =	ssyncset.done $0x0  }
0x60: {  	[sflag:s17] =	ssyncadd.s32 $0xFFFFFE00  }
0x61: {  	_ =	swait.ge [sflag:s17], $0x200  }
0x62: {  	[sflag:s17] =	ssyncset.done $0x0  }
0x63: {  	[sflag:s17] =	ssyncadd.s32 $0xFFFFFE00  }
0x64: {  	_ =	swait.ge [sflag:s17], $0x200  }
0x65: {  	[sflag:s17] =	ssyncset.done $0x0  }
0x66: {  	[sflag:s17] =	ssyncadd.s32 $0xFFFFFE00  }
0x67: {  	_ =	swait.ge [sflag:s17], $0x200  }
0x68: {  	[sflag:s17] =	ssyncset.done $0x0  }
0x69: {  	[sflag:s17] =	ssyncadd.s32 $0xFFFFFE00  }
0x6a: {  	_ =	swait.ge [sflag:s17], $0x200  }
0x6b: {  	[sflag:s17] =	ssyncset.done $0x0  }
0x6c: {  	[sflag:s17] =	ssyncadd.s32 $0xFFFFFE00  }
0x6d: {  	_ =	swait.ge [sflag:s17], $0x200  }
0x6e: {  	[sflag:s17] =	ssyncset.done $0x0  }
0x6f: {  	[sflag:s17] =	ssyncadd.s32 $0xFFFFFE00  }
0x70: {  	_ =	swait.ge [sflag:s17], $0x200  }
0x71: {  	[sflag:s17] =	ssyncset.done $0x0  }
0x72: {  	[sflag:s17] =	ssyncadd.s32 $0xFFFFFE00  }
0x73: {  	_ =	swait.ge [sflag:s17], $0x200  }
0x74: {  	[sflag:s17] =	ssyncset.done $0x0  }
0x75: {  	[sflag:s17] =	ssyncadd.s32 $0xFFFFFE00  }
0x76: {  	_ =	swait.ge [sflag:s17], $0x200  }
0x77: {  	[sflag:s17] =	ssyncset.done $0x0  }
0x78: {  	[sflag:s17] =	ssyncadd.s32 $0xFFFFFE00  }
0x79: {  	_ =	swait.ge [sflag:s17], $0x200  }
0x7a: {  	s1 =	smul.u32 $0x2780, s31;
	s31 =	ssub.s32 $0x2, s31;
	[sflag:s17] =	ssyncset.done $0x0  }
0x7b: {  	s0 =	sshrl.u32 s31, $0x1;
	[sflag:s17] =	ssyncadd.s32 $0xFFFFFE00  }
0x7c: {  	s0 =	ssub.s32 s31, s0;
	_ =	swait.ge [sflag:s17], $0x200  }
0x7d: {  	s0 =	smax.u32 s0, $0x1;
	[sflag:s17] =	ssyncset.done $0x0  }
0x7e: {  	p0 =	sne.s32 s0, $0x1;
	[sflag:s17] =	ssyncadd.s32 $0xFFFFFE00  }
.Ltmp0:
0x7f: {  	_ =	swait.ge [sflag:s17], $0x200;
	(pc) =	sbr.rel @!p0 .LBB2_2-.Ltmp0, $4  }
0x80: {  	s1 =	sadd.s32 s30, s1;
	[sflag:s17] =	ssyncset.done $0x0  }
0x81: {  	s1 =	sshrl.u32 s1, $0x3;
	s30 =	rddreg [dreg:$0x0]  }
0x82: {  	[sflag:s17] =	ssyncadd.s32 $0xFFFFFE00;
	s1 =	sadd.s32 s1, s30  }
0x83: {  	s31 =	sadd.s32 $0xFFFFFFFF, s0;
	_ =	swait.ge [sflag:s17], $0x200;
	s30 =	sadd.s32 $0xB400, s1  }
.LBB2_1:
0x84: {  	[sflag:s17] =	ssyncset.done $0x0  }
0x85: {  	[sflag:s17] =	ssyncadd.s32 $0xFFFFFE00  }
0x86: {  	_ =	swait.ge [sflag:s17], $0x200  }
0x87: {  	[sflag:s17] =	ssyncset.done $0x0  }
0x88: {  	[sflag:s17] =	ssyncadd.s32 $0xFFFFFE00  }
0x89: {  	_ =	swait.ge [sflag:s17], $0x200  }
0x8a: {  	[sflag:s17] =	ssyncset.done $0x0  }
0x8b: {  	[sflag:s17] =	ssyncadd.s32 $0xFFFFFE00  }
0x8c: {  	_ =	swait.ge [sflag:s17], $0x200  }
0x8d: {  	[sflag:s17] =	ssyncset.done $0x0  }
0x8e: {  	[sflag:s17] =	ssyncadd.s32 $0xFFFFFE00  }
0x8f: {  	_ =	swait.ge [sflag:s17], $0x200  }
0x90: {  	[sflag:s17] =	ssyncset.done $0x0  }
0x91: {  	[sflag:s17] =	ssyncadd.s32 $0xFFFFFE00  }
0x92: {  	_ =	swait.ge [sflag:s17], $0x200  }
0x93: {  	[sflag:s17] =	ssyncset.done $0x0  }
0x94: {  	[sflag:s17] =	ssyncadd.s32 $0xFFFFFE00  }
0x95: {  	_ =	swait.ge [sflag:s17], $0x200  }
0x96: {  	[sflag:s17] =	ssyncset.done $0x0  }
0x97: {  	[sflag:s17] =	ssyncadd.s32 $0xFFFFFE00  }
0x98: {  	_ =	swait.ge [sflag:s17], $0x200  }
0x99: {  	[sflag:s17] =	ssyncset.done $0x0  }
0x9a: {  	[sflag:s17] =	ssyncadd.s32 $0xFFFFFE00  }
0x9b: {  	[bflag:$0x0] =	sbarrier.arrive $0xFFFF  }
0x9c: {  	[tilespmem:s4], [sflag:$0x2] =	stream.linear.gather [spmem:s5], $0x278, $0x38;
	[tilespmem:$0x2EF0] =	vst v63  }
0x9d: {  	_ =	swait.ge [sflag:s3], $0x278  }
0x9e: {  	[sflag:s3] =	ssyncset.done $0x0  }
0x9f: {  	[sflag:s3] =	ssyncadd.s32 $0xFFFFFD88  }
0xa0: {  	[hbm4b:s30+s2] =	stream.linear.scatter [tilespmem:s4], [sflag:$0x2], $0x278, $0x38;
	[tilespmem:$0x2EF0] =	vst v63  }
0xa1: {  	_ =	swait.ge [sflag:s3], $0x278  }
0xa2: {  	[sflag:s3] =	ssyncset.done $0x0  }
0xa3: {  	s0 =	rddreg [dreg:$0x3];
	[sflag:s3] =	ssyncadd.s32 $0xFFFFFD88  }
0xa4: {  	[tilespmem:s2], [sflag:$0x2] =	stream.linear.gather [hbm4b:s0+s2], $0x2800, $0x38;
	[tilespmem:$0x2EF0] =	vst v63  }
0xa5: {  	_ =	swait.ge [sflag:s3], $0x2800  }
0xa6: {  	[sflag:s3] =	ssyncset.done $0x0  }
0xa7: {  	[sflag:s3] =	ssyncadd.s32 $0xFFFFD800  }
0xa8: {  	[tilespmem:s4], [sflag:$0x2] =	stream.linear.gather [hbm4b:s7+s2], $0x278, $0x38;
	[tilespmem:$0x2EF0] =	vst v63  }
0xa9: {  	_ =	swait.ge [sflag:s3], $0x278  }
0xaa: {  	[sflag:s3] =	ssyncset.done $0x0  }
0xab: {  	[sflag:s3] =	ssyncadd.s32 $0xFFFFFD88  }
0xac: {  	[spmem:s5] =	stream.linear.scatter [tilespmem:s4], [sflag:$0x2], $0x278, $0x38;
	[tilespmem:$0x2EF0] =	vst v63  }
0xad: {  	_ =	swait.ge [sflag:s3], $0x278  }
0xae: {  	[sflag:s3] =	ssyncset.done $0x0  }
0xaf: {  	[sflag:s3] =	ssyncadd.s32 $0xFFFFFD88  }
0xb0: {  	[tilespmem:$0x29F0] =	vst v0  }
0xb1: {  	[tilespmem:$0x29E0] =	vst v0  }
0xb2: {  	[tilespmem:$0x29D0] =	vst v0  }
0xb3: {  	[tilespmem:$0x29C0] =	vst v0  }
0xb4: {  	[tilespmem:$0x29B0] =	vst v0  }
0xb5: {  	[tilespmem:$0x29A0] =	vst v0  }
0xb6: {  	[tilespmem:$0x2990] =	vst v0  }
0xb7: {  	[tilespmem:$0x2980] =	vst v0  }
0xb8: {  	[tilespmem:$0x2970] =	vst v0  }
0xb9: {  	[tilespmem:$0x2960] =	vst v0  }
0xba: {  	[tilespmem:$0x2950] =	vst v0  }
0xbb: {  	[tilespmem:$0x2940] =	vst v0  }
0xbc: {  	[tilespmem:$0x2930] =	vst v0  }
0xbd: {  	[tilespmem:$0x2920] =	vst v0  }
0xbe: {  	[tilespmem:$0x2910] =	vst v0  }
0xbf: {  	[tilespmem:$0x2900] =	vst v0  }
0xc0: {  	[tilespmem:$0x28F0] =	vst v0  }
0xc1: {  	[tilespmem:$0x28E0] =	vst v0  }
0xc2: {  	[tilespmem:$0x28D0] =	vst v0  }
0xc3: {  	[tilespmem:$0x28C0] =	vst v0  }
0xc4: {  	[tilespmem:$0x28B0] =	vst v0  }
0xc5: {  	[tilespmem:$0x28A0] =	vst v0  }
0xc6: {  	[tilespmem:$0x2890] =	vst v0  }
0xc7: {  	[tilespmem:$0x2880] =	vst v0  }
0xc8: {  	[tilespmem:$0x2870] =	vst v0  }
0xc9: {  	[tilespmem:$0x2860] =	vst v0  }
0xca: {  	[tilespmem:$0x2850] =	vst v0  }
0xcb: {  	[tilespmem:$0x2840] =	vst v0  }
0xcc: {  	[tilespmem:$0x2830] =	vst v0  }
0xcd: {  	[tilespmem:$0x2820] =	vst v0  }
0xce: {  	[tilespmem:$0x2800] =	vst v0  }
0xcf: {  	[tilespmem:$0x2810] =	vst v0  }
0xd0: {  	[bflag:$0x0] =	sbarrier.arrive $0xFFFF  }
0xd1: {  	[spmem:s6] =	stream.indirect.scatter.add.f32 [tilespmem:s9], [sflag:$0x1], $0x1, s2, s8, $0xb8;
	[tilespmem:$0x2EF0] =	vst v63  }
0xd2: {  	_ = 	snop  }
0xd3: {  	[spmem:s6] =	stream.indirect.scatter.add.f32 [tilespmem:s9], [sflag:$0x1], $0x1, s8, s8, $0xb8;
	[tilespmem:$0x2EF0] =	vst v63  }
0xd4: {  	_ = 	snop  }
0xd5: {  	[spmem:s6] =	stream.indirect.scatter.add.f32 [tilespmem:s9], [sflag:$0x1], $0x1, s10, s8, $0xb8;
	[tilespmem:$0x2EF0] =	vst v63  }
0xd6: {  	_ = 	snop  }
0xd7: {  	[spmem:s6] =	stream.indirect.scatter.add.f32 [tilespmem:s9], [sflag:$0x1], $0x1, s11, s8, $0xb8;
	[tilespmem:$0x2EF0] =	vst v63  }
0xd8: {  	_ = 	snop  }
0xd9: {  	[spmem:s6] =	stream.indirect.scatter.add.f32 [tilespmem:s9], [sflag:$0x1], $0x1, s12, s8, $0xb8;
	[tilespmem:$0x2EF0] =	vst v63  }
0xda: {  	_ = 	snop  }
0xdb: {  	[spmem:s6] =	stream.indirect.scatter.add.f32 [tilespmem:s9], [sflag:$0x1], $0x1, s13, s8, $0xb8;
	[tilespmem:$0x2EF0] =	vst v63  }
0xdc: {  	_ = 	snop  }
0xdd: {  	[spmem:s6] =	stream.indirect.scatter.add.f32 [tilespmem:s9], [sflag:$0x1], $0x1, s14, s8, $0xb8;
	[tilespmem:$0x2EF0] =	vst v63  }
0xde: {  	_ = 	snop  }
0xdf: {  	[spmem:s6] =	stream.indirect.scatter.add.f32 [tilespmem:s9], [sflag:$0x1], $0x1, s15, s8, $0xb8;
	[tilespmem:$0x2EF0] =	vst v63  }
0xe0: {  	_ = 	snop  }
0xe1: {  	[spmem:s6] =	stream.indirect.scatter.add.f32 [tilespmem:s9], [sflag:$0x1], $0x1, s16, s8, $0xb8;
	[tilespmem:$0x2EF0] =	vst v63  }
0xe2: {  	_ = 	snop  }
0xe3: {  	[spmem:s6] =	stream.indirect.scatter.add.f32 [tilespmem:s9], [sflag:$0x1], $0x1, s18, s8, $0xb8;
	[tilespmem:$0x2EF0] =	vst v63  }
0xe4: {  	_ = 	snop  }
0xe5: {  	[spmem:s6] =	stream.indirect.scatter.add.f32 [tilespmem:s9], [sflag:$0x1], $0x1, s19, s8, $0xb8;
	[tilespmem:$0x2EF0] =	vst v63  }
0xe6: {  	_ = 	snop  }
0xe7: {  	[spmem:s6] =	stream.indirect.scatter.add.f32 [tilespmem:s9], [sflag:$0x1], $0x1, s20, s8, $0xb8;
	[tilespmem:$0x2EF0] =	vst v63  }
0xe8: {  	_ = 	snop  }
0xe9: {  	[spmem:s6] =	stream.indirect.scatter.add.f32 [tilespmem:s9], [sflag:$0x1], $0x1, s21, s8, $0xb8;
	[tilespmem:$0x2EF0] =	vst v63  }
0xea: {  	_ = 	snop  }
0xeb: {  	[spmem:s6] =	stream.indirect.scatter.add.f32 [tilespmem:s9], [sflag:$0x1], $0x1, s22, s8, $0xb8;
	[tilespmem:$0x2EF0] =	vst v63  }
0xec: {  	_ = 	snop  }
0xed: {  	[spmem:s6] =	stream.indirect.scatter.add.f32 [tilespmem:s9], [sflag:$0x1], $0x1, s23, s8, $0xb8;
	[tilespmem:$0x2EF0] =	vst v63  }
0xee: {  	_ = 	snop  }
0xef: {  	[spmem:s6] =	stream.indirect.scatter.add.f32 [tilespmem:s9], [sflag:$0x1], $0x1, s24, s8, $0xb8;
	[tilespmem:$0x2EF0] =	vst v63  }
0xf0: {  	_ = 	snop  }
0xf1: {  	[spmem:s6] =	stream.indirect.scatter.add.f32 [tilespmem:s9], [sflag:$0x1], $0x1, s25, s8, $0xb8;
	[tilespmem:$0x2EF0] =	vst v63  }
0xf2: {  	_ = 	snop  }
0xf3: {  	[spmem:s6] =	stream.indirect.scatter.add.f32 [tilespmem:s9], [sflag:$0x1], $0x1, s26, s8, $0xb8;
	[tilespmem:$0x2EF0] =	vst v63  }
0xf4: {  	_ = 	snop  }
0xf5: {  	[spmem:s6] =	stream.indirect.scatter.add.f32 [tilespmem:s9], [sflag:$0x1], $0x1, s28, s8, $0xb8;
	[tilespmem:$0x2EF0] =	vst v63  }
0xf6: {  	_ = 	snop  }
0xf7: {  	[spmem:s6] =	stream.indirect.scatter.add.f32 [tilespmem:s9], [sflag:$0x1], $0x1, s29, s8, $0xb8;
	[tilespmem:$0x2EF0] =	vst v63  }
0xf8: {  	_ =	swait.ge [sflag:s17], $0x200  }
0xf9: {  	[sflag:s17] =	ssyncset.done $0x0  }
0xfa: {  	[sflag:s17] =	ssyncadd.s32 $0xFFFFFE00  }
0xfb: {  	_ =	swait.ge [sflag:s17], $0x200  }
0xfc: {  	[sflag:s17] =	ssyncset.done $0x0  }
0xfd: {  	[sflag:s17] =	ssyncadd.s32 $0xFFFFFE00  }
0xfe: {  	_ =	swait.ge [sflag:s17], $0x200  }
0xff: {  	[sflag:s17] =	ssyncset.done $0x0  }
0x100: {  	[sflag:s17] =	ssyncadd.s32 $0xFFFFFE00  }
0x101: {  	_ =	swait.ge [sflag:s17], $0x200  }
0x102: {  	[sflag:s17] =	ssyncset.done $0x0  }
0x103: {  	[sflag:s17] =	ssyncadd.s32 $0xFFFFFE00  }
0x104: {  	_ =	swait.ge [sflag:s17], $0x200  }
0x105: {  	[sflag:s17] =	ssyncset.done $0x0  }
0x106: {  	[sflag:s17] =	ssyncadd.s32 $0xFFFFFE00  }
0x107: {  	_ =	swait.ge [sflag:s17], $0x200  }
0x108: {  	[sflag:s17] =	ssyncset.done $0x0  }
0x109: {  	[sflag:s17] =	ssyncadd.s32 $0xFFFFFE00  }
0x10a: {  	_ =	swait.ge [sflag:s17], $0x200  }
0x10b: {  	[sflag:s17] =	ssyncset.done $0x0  }
0x10c: {  	[sflag:s17] =	ssyncadd.s32 $0xFFFFFE00  }
0x10d: {  	_ =	swait.ge [sflag:s17], $0x200  }
0x10e: {  	[sflag:s17] =	ssyncset.done $0x0  }
0x10f: {  	[sflag:s17] =	ssyncadd.s32 $0xFFFFFE00  }
0x110: {  	_ =	swait.ge [sflag:s17], $0x200  }
0x111: {  	[sflag:s17] =	ssyncset.done $0x0  }
0x112: {  	[sflag:s17] =	ssyncadd.s32 $0xFFFFFE00  }
0x113: {  	_ =	swait.ge [sflag:s17], $0x200  }
0x114: {  	[sflag:s17] =	ssyncset.done $0x0  }
0x115: {  	[sflag:s17] =	ssyncadd.s32 $0xFFFFFE00  }
0x116: {  	_ =	swait.ge [sflag:s17], $0x200  }
0x117: {  	p0 =	sne.s32 s31, $0x1;
	[sflag:s17] =	ssyncset.done $0x0  }
.Ltmp1:
0x118: {  	[sflag:s17] =	ssyncadd.s32 $0xFFFFFE00;
	(pc) =	sbr.rel @p0 .LBB2_1-.Ltmp1, $4  }
0x119: {  	_ =	swait.ge [sflag:s17], $0x200  }
0x11a: {  	[sflag:s17] =	ssyncset.done $0x0  }
0x11b: {  	[sflag:s17] =	ssyncadd.s32 $0xFFFFFE00  }
0x11c: {  	s31 =	sadd.s32 $0xFFFFFFFF, s31;
	_ =	swait.ge [sflag:s17], $0x200  }
.LBB2_2:
0x11d: {  	[sflag:s17] =	ssyncset.done $0x0  }
0x11e: {  	[sflag:s17] =	ssyncadd.s32 $0xFFFFFE00  }
0x11f: {  	_ =	swait.ge [sflag:s17], $0x200  }
0x120: {  	[sflag:s17] =	ssyncset.done $0x0  }
0x121: {  	[sflag:s17] =	ssyncadd.s32 $0xFFFFFE00  }
0x122: {  	_ =	swait.ge [sflag:s17], $0x200  }
0x123: {  	[sflag:s17] =	ssyncset.done $0x0  }
0x124: {  	[sflag:s17] =	ssyncadd.s32 $0xFFFFFE00  }
0x125: {  	_ =	swait.ge [sflag:s17], $0x200  }
0x126: {  	[sflag:s17] =	ssyncset.done $0x0  }
0x127: {  	[sflag:s17] =	ssyncadd.s32 $0xFFFFFE00  }
0x128: {  	_ =	swait.ge [sflag:s17], $0x200  }
0x129: {  	[sflag:s17] =	ssyncset.done $0x0  }
0x12a: {  	[sflag:s17] =	ssyncadd.s32 $0xFFFFFE00  }
0x12b: {  	_ =	swait.ge [sflag:s17], $0x200  }
0x12c: {  	[sflag:s17] =	ssyncset.done $0x0  }
0x12d: {  	[sflag:s17] =	ssyncadd.s32 $0xFFFFFE00  }
0x12e: {  	_ =	swait.ge [sflag:s17], $0x200  }
0x12f: {  	[sflag:s17] =	ssyncset.done $0x0  }
0x130: {  	[sflag:s17] =	ssyncadd.s32 $0xFFFFFE00  }
0x131: {  	_ =	swait.ge [sflag:s17], $0x200  }
0x132: {  	[sflag:s17] =	ssyncset.done $0x0  }
0x133: {  	[sflag:s17] =	ssyncadd.s32 $0xFFFFFE00  }
0x134: {  	[bflag:$0x0] =	sbarrier.arrive $0xFFFF  }
0x135: {  	[tilespmem:s4], [sflag:$0x2] =	stream.linear.gather [spmem:s5], $0x278, $0x38;
	[tilespmem:$0x2EF0] =	vst v63  }
0x136: {  	_ =	swait.ge [sflag:s3], $0x278  }
0x137: {  	[sflag:s3] =	ssyncset.done $0x0  }
0x138: {  	[sflag:s3] =	ssyncadd.s32 $0xFFFFFD88  }
0x139: {  	[hbm4b:s30+s2] =	stream.linear.scatter [tilespmem:s4], [sflag:$0x2], $0x278, $0x38;
	[tilespmem:$0x2EF0] =	vst v63  }
0x13a: {  	_ =	swait.ge [sflag:s3], $0x278  }
0x13b: {  	[sflag:s3] =	ssyncset.done $0x0  }
0x13c: {  	[sflag:s3] =	ssyncadd.s32 $0xFFFFFD88  }
0x13d: {  	_ =	sfence.sel $0x180000  }
0x13e: {  	[bflag:$0x0] =	sbarrier.arrive $0xFFFF  }
0x13f: {  	_ =	strace $0x90000047  }
0x140: {  	s0 =	stileid.u32;
	[bflag:$0x2] =	sbarrier.arrive $0xFFFF  }
0x141: {  	p0 =	sne.s32 s0, $0x0;
	s0 =	rddreg [dreg:$0x2]  }
0x142: {  	s0 =	sadd.s32 @!p0 $0x100000, s0  }
0x143: {  	[sflag:s0] =	ssyncadd.tile.s32 @!p0 $0x1;
	_ =	shalt  }
.Lfunc_end2:
_tile_overlayer_lowered:
.L_overlay_start_2:
0x144: {  	(tag) =	ssettag $0x2  }
0x145: {  	s0 =	rddreg [dreg:$0x0];
	s2 =	stileid.u32  }
0x146: {  	s1 =	rddreg [dreg:$0x1];
	p0 =	sne.s32 s2, $0x0  }
0x147: {  	s3 =	rddreg [dreg:$0x2];
	[bflag:$0x3] =	sbarrier.arrive $0xFFFF;
	s2 =	simm.s32 @!p0 $0x1C02  }
0x148: {  	[timem:s3], [sflag:s2] =	dma.local @!p0 [hbm:s0], s1  }
0x149: {  	s0 =	simm.s32 @!p0 $0x2  }
0x14a: {  	_ =	swait.ge @!p0 [sflag:s0], s1  }
0x14b: {  	s1 =	ssub.s32 @!p0 $0x0, s1;
	[sflag:s0] =	ssyncset.done @!p0 $0x0  }
0x14c: {  	[sflag:s0] =	ssyncadd.s32 @!p0 s1  }
0x14d: {  	[bflag:$0x3] =	sbarrier.arrive $0xFFFF  }
0x14e: {  	_ =	shalt  }

</sc_bundles>
